<compile_context>
chip_gen: v7x
topology: tpu7x:2x2x1
jax: 0.10.2.dev20260603
libtpu: 0.0.44.dev20260713+nightly
codegen_flags: <defaults>
</compile_context>

<pallas_src>
import functools

import jax
import jax.numpy as jnp
from jax import lax
from jax.experimental import pallas as pl
from jax.experimental.pallas import tpu as pltpu
from jax.experimental.pallas import tpu_sc as plsc

D = 128
CPAD = 128
REP_HBM = 4


def _tc_prelude(ea_t, w0, w1, w2, n1, n2, per_w):
    _, E = ea_t.shape
    n0 = w0.shape[0]

    def body(ea_ref, w0_ref, w1_ref, w2_ref, t_ref, idx_ref):
        def rows(w_ref, vals):
            acc = jnp.zeros((CPAD, D), jnp.float32)
            for j in range(w_ref.shape[0]):
                acc = jnp.where(vals == j, w_ref[j][None, :], acc)
            return acc

        ci = lax.broadcasted_iota(jnp.int32, (CPAD, 1), 0)
        t = (rows(w0_ref, ci // (n1 * n2))
             + rows(w1_ref, (ci // n2) % n1)
             + rows(w2_ref, ci % n2))
        for r in range(REP_HBM):
            t_ref[pl.ds(r * CPAD, CPAD)] = t

        a, b, c = ea_ref[0], ea_ref[1], ea_ref[2]
        e = lax.broadcasted_iota(jnp.int32, (E,), 0)
        idx_ref[...] = (a * (n1 * n2) + b * n2 + c + (e // (2 * per_w)) * CPAD)

    return pl.pallas_call(
        body,
        out_shape=(
            jax.ShapeDtypeStruct((REP_HBM * CPAD, D), jnp.float32),
            jax.ShapeDtypeStruct((E,), jnp.int32),
        ),
    )(ea_t, w0, w1, w2)


def _sc_lookup(table, idx, E):
    info = plsc.get_sparse_core_info()
    NC, NS = info.num_cores, info.num_subcores
    NW = NC * NS
    per_w = E // NW
    CH = 80
    n_ch = per_w // CH
    assert per_w % CH == 0 and E % NW == 0

    NBUF = 5
    LAG = 3
    assert n_ch % NBUF == 0 and n_ch >= 2 * NBUF

    mesh = plsc.VectorSubcoreMesh(core_axis_name="c", subcore_axis_name="s")

    @functools.partial(
        pl.kernel,
        mesh=mesh,
        out_type=jax.ShapeDtypeStruct((E, D), jnp.float32),
        scratch_types=[
            pltpu.VMEM_SHARED((NS * CPAD, D), jnp.float32),
            pltpu.VMEM((per_w,), jnp.int32),
            pltpu.VMEM((NBUF * CH, D), jnp.float32),
            *([pltpu.SemaphoreType.DMA] * (2 * NBUF)),
        ],
    )
    def k(t_hbm, idx_hbm, out_hbm, t_sh, idx_v, rows_v, *sems):
        sem_g, sem_s = sems[:NBUF], sems[NBUF:]
        s = lax.axis_index("s")
        wid = s * NC + lax.axis_index("c")
        base = wid * per_w
        tcopy = pltpu.async_copy(t_hbm.at[pl.ds((s % REP_HBM) * CPAD, CPAD)],
                                 t_sh.at[pl.ds(s * CPAD, CPAD)], sem_g[0])
        icopy = pltpu.async_copy(idx_hbm.at[pl.ds(base, per_w)], idx_v,
                                 sem_g[1])
        tcopy.wait()
        icopy.wait()

        def buf(b):
            return rows_v.at[pl.ds(b * CH, CH)]

        def start_gather(kk, b):
            pltpu.async_copy(t_sh.at[idx_v.at[pl.ds(kk * CH, CH)]],
                             buf(b), sem_g[b])

        def start_scatter(kk, b):
            pltpu.async_copy(buf(b), out_hbm.at[pl.ds(base + kk * CH, CH)],
                             sem_s[b])

        def wait_gather(b):
            pltpu.make_async_copy(out_hbm.at[pl.ds(base, CH)], buf(b),
                                  sem_g[b]).wait()

        def wait_scatter(b):
            pltpu.make_async_copy(buf(b), out_hbm.at[pl.ds(base, CH)],
                                  sem_s[b]).wait()

        for kb in range(NBUF):
            start_gather(kb, kb)
            if kb >= LAG:
                wait_gather(kb - LAG)
                start_scatter(kb - LAG, kb - LAG)

        def outer(g, carry):
            k0 = NBUF + g * NBUF
            for b in range(NBUF):
                kk = k0 + b
                wait_scatter(b)
                start_gather(kk, b)
                bs = (b - LAG) % NBUF
                wait_gather(bs)
                start_scatter(kk - LAG, bs)
            return carry

        lax.fori_loop(0, (n_ch - NBUF) // NBUF, outer, 0)

        for i in range(LAG):
            kk = n_ch - LAG + i
            wait_gather(kk % NBUF)
            start_scatter(kk, kk % NBUF)
        for b in range(NBUF):
            wait_scatter(b)

    return k(table, idx)


def kernel(edge_attr, W0, W1, W2):
    E = edge_attr.shape[0]
    n0, n1, n2 = W0.shape[0], W1.shape[0], W2.shape[0]
    assert n0 * n1 * n2 <= CPAD

    per_w = E // 32
    ea_t = jnp.transpose(edge_attr)
    table, idx = _tc_prelude(ea_t, W0, W1, W2, n1, n2, per_w)
    return _sc_lookup(table, idx, E)

# --- scband reference (transcript-rebuilt; emitter-appended) ---
"""Pipeline reference for scband-bond-encoder-88201448391461 (READ-ONLY COPY).

The authoritative reference and input builder live on the scoring server;
editing this copy changes nothing except your own understanding.
"""

import jax, jax.numpy as jnp
import numpy as np

BOND_DIMS = [5, 6, 2]  # OGB full_bond_feature_dims
DIM = 128
E = 320000

def _xavier_uniform(key, shape):
    fan_in, fan_out = shape[0], shape[1]
    bound = float(np.sqrt(6.0 / (fan_in + fan_out)))
    return jax.random.uniform(key, shape, dtype=jnp.float32, minval=-bound, maxval=bound)

def setup_inputs(seed: int = 0) -> dict:
    key = jax.random.key(seed)
    k_idx, k0, k1, k2 = jax.random.split(key, 4)
    edge_attr = jax.random.randint(k_idx, (E, 3), 0, 3, dtype=jnp.int32)
    W0 = _xavier_uniform(k0, (BOND_DIMS[0] + 1, DIM))
    W1 = _xavier_uniform(k1, (BOND_DIMS[1] + 1, DIM))
    W2 = _xavier_uniform(k2, (BOND_DIMS[2] + 1, DIM))
    return {"edge_attr": edge_attr, "W0": W0, "W1": W1, "W2": W2}

def reference(edge_attr, W0, W1, W2):
    # bond_embedding = sum_i emb_i(edge_attr[:, i])
    bond_embedding = jnp.take(W0, edge_attr[:, 0], axis=0)
    bond_embedding = bond_embedding + jnp.take(W1, edge_attr[:, 1], axis=0)
    bond_embedding = bond_embedding + jnp.take(W2, edge_attr[:, 2], axis=0)
    return bond_embedding

if __name__ == "__main__":
    import jax
    _d = setup_inputs()
    print(jax.jit(kernel)(*tuple(_d.values())))

</pallas_src>

<mosaic_0001>
#map = affine_map<(d0, d1) -> (0, 0)>
#map1 = affine_map<(d0, d1) -> (0)>
module attributes {stable_mosaic.version = 14 : i64} {
  func.func @k(%arg0: i32, %arg1: i32, %arg2: memref<512x128xf32, #tpu.memory_space<hbm>>, %arg3: memref<320000xi32, #tpu.memory_space<hbm>>, %arg4: memref<320000x128xf32, #tpu.memory_space<hbm>>, %arg5: memref<2048x128xf32, #tpu.memory_space<vmem_shared>>, %arg6: memref<10000xi32, #tpu.memory_space<vmem>>, %arg7: memref<400x128xf32, #tpu.memory_space<vmem>>, %arg8: memref<!tpu.dma_semaphore, #tpu.memory_space<semaphore_mem>>, %arg9: memref<!tpu.dma_semaphore, #tpu.memory_space<semaphore_mem>>, %arg10: memref<!tpu.dma_semaphore, #tpu.memory_space<semaphore_mem>>, %arg11: memref<!tpu.dma_semaphore, #tpu.memory_space<semaphore_mem>>, %arg12: memref<!tpu.dma_semaphore, #tpu.memory_space<semaphore_mem>>, %arg13: memref<!tpu.dma_semaphore, #tpu.memory_space<semaphore_mem>>, %arg14: memref<!tpu.dma_semaphore, #tpu.memory_space<semaphore_mem>>, %arg15: memref<!tpu.dma_semaphore, #tpu.memory_space<semaphore_mem>>, %arg16: memref<!tpu.dma_semaphore, #tpu.memory_space<semaphore_mem>>, %arg17: memref<!tpu.dma_semaphore, #tpu.memory_space<semaphore_mem>>) attributes {dimension_semantics = [#tpu.dimension_semantics<core_parallel>, #tpu.dimension_semantics<subcore_parallel>], iteration_bounds = array<i64: 2, 16>, scalar_prefetch = 0 : i64, scratch_operands = 13 : i64, tpu.core_type = #tpu.core_type<sc_vector_subcore>, window_params = [{transform_indices = #map}, {transform_indices = #map1}, {transform_indices = #map}]} {
    %mul3A = arith.constant 2 : i32
    %mul3A_0 = arith.muli %arg1, %mul3A : i32
    %add3A = arith.addi %mul3A_0, %arg0 : i32
    %mul3A_1 = arith.constant 10000 : i32
    %mul3A_2 = arith.muli %add3A, %mul3A_1 : i32
    %jit3A = arith.constant 4 : i32
    %eq3A = arith.constant 0 : i32
    %eq3A_3 = arith.cmpi eq, %jit3A, %eq3A : i32
    %jit3A_4 = arith.constant 1 : i32
    %select_n3A = arith.select %eq3A_3, %jit3A_4, %jit3A : i32
    %rem3A = arith.remsi %arg1, %select_n3A : i32
    %ne3A = arith.constant 0 : i32
    %ne3A_5 = arith.cmpi ne, %rem3A, %ne3A : i32
    %lt3A = arith.constant 0 : i32
    %lt3A_6 = arith.cmpi slt, %rem3A, %lt3A : i32
    %lt3A_7 = arith.constant 0 : i32
    %lt3A_8 = arith.cmpi slt, %select_n3A, %lt3A_7 : i32
    %ne3A_9 = arith.xori %lt3A_6, %lt3A_8 : i1
    %and3A = arith.andi %ne3A_9, %ne3A_5 : i1
    %add3A_10 = arith.addi %rem3A, %select_n3A : i32
    %select_n3A_11 = arith.select %and3A, %add3A_10, %rem3A : i32
    %mul3A_12 = arith.constant 128 : i32
    %mul3A_13 = arith.muli %select_n3A_11, %mul3A_12 : i32
    %mul3A_14 = arith.constant 128 : i32
    %mul3A_15 = arith.muli %arg1, %mul3A_14 : i32
    %dma_start3A = arith.constant 0 : i32
    %dma_start3A_16 = tpu.memref_slice %arg5[%mul3A_15, %dma_start3A] : memref<2048x128xf32, #tpu.memory_space<vmem_shared>> -> memref<128x128xf32, #tpu.memory_space<vmem_shared>>
    %dma_start3A_17 = arith.constant 0 : i32
    %dma_start3A_18 = tpu.memref_slice %arg2[%mul3A_13, %dma_start3A_17] : memref<512x128xf32, #tpu.memory_space<hbm>> -> memref<128x128xf32, #tpu.memory_space<hbm>>
    tpu.enqueue_dma source(%dma_start3A_18 : memref<128x128xf32, #tpu.memory_space<hbm>>) target(%dma_start3A_16 : memref<128x128xf32, #tpu.memory_space<vmem_shared>>) target_semaphore(%arg8 : memref<!tpu.dma_semaphore, #tpu.memory_space<semaphore_mem>>)
    %dma_start3A_19 = tpu.memref_slice %arg3[%mul3A_2] : memref<320000xi32, #tpu.memory_space<hbm>> -> memref<10000xi32, #tpu.memory_space<hbm>>
    %dma_start3A_20 = tpu.memref_slice %arg3[%mul3A_2] : memref<320000xi32, #tpu.memory_space<hbm>> -> memref<10000xi32, #tpu.memory_space<hbm>>
    tpu.enqueue_dma source(%dma_start3A_20 : memref<10000xi32, #tpu.memory_space<hbm>>) target(%arg6 : memref<10000xi32, #tpu.memory_space<vmem>>) target_semaphore(%arg9 : memref<!tpu.dma_semaphore, #tpu.memory_space<semaphore_mem>>)
    %dma_wait3A = arith.constant 0 : i32
    %dma_wait3A_21 = tpu.memref_slice %arg5[%mul3A_15, %dma_wait3A] : memref<2048x128xf32, #tpu.memory_space<vmem_shared>> -> memref<128x128xf32, #tpu.memory_space<vmem_shared>>
    %dma_wait3A_22 = arith.constant 0 : i32
    %dma_wait3A_23 = tpu.memref_slice %arg2[%mul3A_13, %dma_wait3A_22] : memref<512x128xf32, #tpu.memory_space<hbm>> -> memref<128x128xf32, #tpu.memory_space<hbm>>
    tpu.wait_dma2 semaphore(%arg8 : memref<!tpu.dma_semaphore, #tpu.memory_space<semaphore_mem>>) src(%dma_wait3A_23 : memref<128x128xf32, #tpu.memory_space<hbm>>) dst(%dma_wait3A_21 : memref<128x128xf32, #tpu.memory_space<vmem_shared>>)
    %dma_wait3A_24 = tpu.memref_slice %arg3[%mul3A_2] : memref<320000xi32, #tpu.memory_space<hbm>> -> memref<10000xi32, #tpu.memory_space<hbm>>
    %dma_wait3A_25 = tpu.memref_slice %arg3[%mul3A_2] : memref<320000xi32, #tpu.memory_space<hbm>> -> memref<10000xi32, #tpu.memory_space<hbm>>
    tpu.wait_dma2 semaphore(%arg9 : memref<!tpu.dma_semaphore, #tpu.memory_space<semaphore_mem>>) src(%dma_wait3A_25 : memref<10000xi32, #tpu.memory_space<hbm>>) dst(%arg6 : memref<10000xi32, #tpu.memory_space<vmem>>)
    %dma_start3A_26 = arith.constant 0 : i32
    %dma_start3A_27 = arith.constant 0 : i32
    %dma_start3A_28 = tpu.memref_slice %arg7[%dma_start3A_26, %dma_start3A_27] : memref<400x128xf32, #tpu.memory_space<vmem>> -> memref<80x128xf32, #tpu.memory_space<vmem>>
    %dma_start3A_29 = arith.constant 0 : i32
    %dma_start3A_30 = tpu.memref_slice %arg6[%dma_start3A_29] : memref<10000xi32, #tpu.memory_space<vmem>> -> memref<80xi32, #tpu.memory_space<vmem>>
    %dma_start3A_31 = arith.constant 0 : i32
    %dma_start3A_32 = arith.constant 0 : i32
    %dma_start3A_33 = tpu.memref_slice %arg5[%dma_start3A_31, %dma_start3A_32] : memref<2048x128xf32, #tpu.memory_space<vmem_shared>> -> memref<2048x128xf32, #tpu.memory_space<vmem_shared>>
    tpu.enqueue_indirect_dma source(%dma_start3A_33 : memref<2048x128xf32, #tpu.memory_space<vmem_shared>>) target(%dma_start3A_28 : memref<80x128xf32, #tpu.memory_space<vmem>>) offsets(%dma_start3A_30 : memref<80xi32, #tpu.memory_space<vmem>>) semaphore(%arg8 : memref<!tpu.dma_semaphore, #tpu.memory_space<semaphore_mem>>)
    %dma_start3A_34 = arith.constant 80 : i32
    %dma_start3A_35 = arith.constant 0 : i32
    %dma_start3A_36 = tpu.memref_slice %arg7[%dma_start3A_34, %dma_start3A_35] : memref<400x128xf32, #tpu.memory_space<vmem>> -> memref<80x128xf32, #tpu.memory_space<vmem>>
    %dma_start3A_37 = arith.constant 80 : i32
    %dma_start3A_38 = tpu.memref_slice %arg6[%dma_start3A_37] : memref<10000xi32, #tpu.memory_space<vmem>> -> memref<80xi32, #tpu.memory_space<vmem>>
    %dma_start3A_39 = arith.constant 0 : i32
    %dma_start3A_40 = arith.constant 0 : i32
    %dma_start3A_41 = tpu.memref_slice %arg5[%dma_start3A_39, %dma_start3A_40] : memref<2048x128xf32, #tpu.memory_space<vmem_shared>> -> memref<2048x128xf32, #tpu.memory_space<vmem_shared>>
    tpu.enqueue_indirect_dma source(%dma_start3A_41 : memref<2048x128xf32, #tpu.memory_space<vmem_shared>>) target(%dma_start3A_36 : memref<80x128xf32, #tpu.memory_space<vmem>>) offsets(%dma_start3A_38 : memref<80xi32, #tpu.memory_space<vmem>>) semaphore(%arg9 : memref<!tpu.dma_semaphore, #tpu.memory_space<semaphore_mem>>)
    %dma_start3A_42 = arith.constant 160 : i32
    %dma_start3A_43 = arith.constant 0 : i32
    %dma_start3A_44 = tpu.memref_slice %arg7[%dma_start3A_42, %dma_start3A_43] : memref<400x128xf32, #tpu.memory_space<vmem>> -> memref<80x128xf32, #tpu.memory_space<vmem>>
    %dma_start3A_45 = arith.constant 160 : i32
    %dma_start3A_46 = tpu.memref_slice %arg6[%dma_start3A_45] : memref<10000xi32, #tpu.memory_space<vmem>> -> memref<80xi32, #tpu.memory_space<vmem>>
    %dma_start3A_47 = arith.constant 0 : i32
    %dma_start3A_48 = arith.constant 0 : i32
    %dma_start3A_49 = tpu.memref_slice %arg5[%dma_start3A_47, %dma_start3A_48] : memref<2048x128xf32, #tpu.memory_space<vmem_shared>> -> memref<2048x128xf32, #tpu.memory_space<vmem_shared>>
    tpu.enqueue_indirect_dma source(%dma_start3A_49 : memref<2048x128xf32, #tpu.memory_space<vmem_shared>>) target(%dma_start3A_44 : memref<80x128xf32, #tpu.memory_space<vmem>>) offsets(%dma_start3A_46 : memref<80xi32, #tpu.memory_space<vmem>>) semaphore(%arg10 : memref<!tpu.dma_semaphore, #tpu.memory_space<semaphore_mem>>)
    %dma_start3A_50 = arith.constant 240 : i32
    %dma_start3A_51 = arith.constant 0 : i32
    %dma_start3A_52 = tpu.memref_slice %arg7[%dma_start3A_50, %dma_start3A_51] : memref<400x128xf32, #tpu.memory_space<vmem>> -> memref<80x128xf32, #tpu.memory_space<vmem>>
    %dma_start3A_53 = arith.constant 240 : i32
    %dma_start3A_54 = tpu.memref_slice %arg6[%dma_start3A_53] : memref<10000xi32, #tpu.memory_space<vmem>> -> memref<80xi32, #tpu.memory_space<vmem>>
    %dma_start3A_55 = arith.constant 0 : i32
    %dma_start3A_56 = arith.constant 0 : i32
    %dma_start3A_57 = tpu.memref_slice %arg5[%dma_start3A_55, %dma_start3A_56] : memref<2048x128xf32, #tpu.memory_space<vmem_shared>> -> memref<2048x128xf32, #tpu.memory_space<vmem_shared>>
    tpu.enqueue_indirect_dma source(%dma_start3A_57 : memref<2048x128xf32, #tpu.memory_space<vmem_shared>>) target(%dma_start3A_52 : memref<80x128xf32, #tpu.memory_space<vmem>>) offsets(%dma_start3A_54 : memref<80xi32, #tpu.memory_space<vmem>>) semaphore(%arg11 : memref<!tpu.dma_semaphore, #tpu.memory_space<semaphore_mem>>)
    %dma_wait3A_58 = arith.constant 0 : i32
    %dma_wait3A_59 = arith.constant 0 : i32
    %dma_wait3A_60 = tpu.memref_slice %arg7[%dma_wait3A_58, %dma_wait3A_59] : memref<400x128xf32, #tpu.memory_space<vmem>> -> memref<80x128xf32, #tpu.memory_space<vmem>>
    %dma_wait3A_61 = arith.constant 0 : i32
    %dma_wait3A_62 = tpu.memref_slice %arg4[%mul3A_2, %dma_wait3A_61] : memref<320000x128xf32, #tpu.memory_space<hbm>> -> memref<80x128xf32, #tpu.memory_space<hbm>>
    %dma_wait3A_63 = arith.constant 0 : i32
    %dma_wait3A_64 = arith.constant 0 : i32
    %dma_wait3A_65 = tpu.memref_slice %arg7[%dma_wait3A_63, %dma_wait3A_64] : memref<400x128xf32, #tpu.memory_space<vmem>> -> memref<80x128xf32, #tpu.memory_space<vmem>>
    %dma_wait3A_66 = arith.constant 0 : i32
    %dma_wait3A_67 = tpu.memref_slice %arg4[%mul3A_2, %dma_wait3A_66] : memref<320000x128xf32, #tpu.memory_space<hbm>> -> memref<80x128xf32, #tpu.memory_space<hbm>>
    tpu.wait_dma2 semaphore(%arg8 : memref<!tpu.dma_semaphore, #tpu.memory_space<semaphore_mem>>) src(%dma_wait3A_67 : memref<80x128xf32, #tpu.memory_space<hbm>>) dst(%dma_wait3A_65 : memref<80x128xf32, #tpu.memory_space<vmem>>)
    %add3A_68 = arith.constant 0 : i32
    %add3A_69 = arith.addi %mul3A_2, %add3A_68 : i32
    %dma_start3A_70 = arith.constant 0 : i32
    %dma_start3A_71 = arith.constant 0 : i32
    %dma_start3A_72 = tpu.memref_slice %arg7[%dma_start3A_70, %dma_start3A_71] : memref<400x128xf32, #tpu.memory_space<vmem>> -> memref<80x128xf32, #tpu.memory_space<vmem>>
    %dma_start3A_73 = arith.constant 0 : i32
    %dma_start3A_74 = tpu.memref_slice %arg4[%add3A_69, %dma_start3A_73] : memref<320000x128xf32, #tpu.memory_space<hbm>> -> memref<80x128xf32, #tpu.memory_space<hbm>>
    %dma_start3A_75 = arith.constant 0 : i32
    %dma_start3A_76 = tpu.memref_slice %arg4[%add3A_69, %dma_start3A_75] : memref<320000x128xf32, #tpu.memory_space<hbm>> -> memref<80x128xf32, #tpu.memory_space<hbm>>
    %dma_start3A_77 = arith.constant 0 : i32
    %dma_start3A_78 = arith.constant 0 : i32
    %dma_start3A_79 = tpu.memref_slice %arg7[%dma_start3A_77, %dma_start3A_78] : memref<400x128xf32, #tpu.memory_space<vmem>> -> memref<80x128xf32, #tpu.memory_space<vmem>>
    tpu.enqueue_dma source(%dma_start3A_79 : memref<80x128xf32, #tpu.memory_space<vmem>>) target(%dma_start3A_76 : memref<80x128xf32, #tpu.memory_space<hbm>>) target_semaphore(%arg13 : memref<!tpu.dma_semaphore, #tpu.memory_space<semaphore_mem>>)
    %dma_start3A_80 = arith.constant 320 : i32
    %dma_start3A_81 = arith.constant 0 : i32
    %dma_start3A_82 = tpu.memref_slice %arg7[%dma_start3A_80, %dma_start3A_81] : memref<400x128xf32, #tpu.memory_space<vmem>> -> memref<80x128xf32, #tpu.memory_space<vmem>>
    %dma_start3A_83 = arith.constant 320 : i32
    %dma_start3A_84 = tpu.memref_slice %arg6[%dma_start3A_83] : memref<10000xi32, #tpu.memory_space<vmem>> -> memref<80xi32, #tpu.memory_space<vmem>>
    %dma_start3A_85 = arith.constant 0 : i32
    %dma_start3A_86 = arith.constant 0 : i32
    %dma_start3A_87 = tpu.memref_slice %arg5[%dma_start3A_85, %dma_start3A_86] : memref<2048x128xf32, #tpu.memory_space<vmem_shared>> -> memref<2048x128xf32, #tpu.memory_space<vmem_shared>>
    tpu.enqueue_indirect_dma source(%dma_start3A_87 : memref<2048x128xf32, #tpu.memory_space<vmem_shared>>) target(%dma_start3A_82 : memref<80x128xf32, #tpu.memory_space<vmem>>) offsets(%dma_start3A_84 : memref<80xi32, #tpu.memory_space<vmem>>) semaphore(%arg12 : memref<!tpu.dma_semaphore, #tpu.memory_space<semaphore_mem>>)
    %dma_wait3A_88 = arith.constant 80 : i32
    %dma_wait3A_89 = arith.constant 0 : i32
    %dma_wait3A_90 = tpu.memref_slice %arg7[%dma_wait3A_88, %dma_wait3A_89] : memref<400x128xf32, #tpu.memory_space<vmem>> -> memref<80x128xf32, #tpu.memory_space<vmem>>
    %dma_wait3A_91 = arith.constant 0 : i32
    %dma_wait3A_92 = tpu.memref_slice %arg4[%mul3A_2, %dma_wait3A_91] : memref<320000x128xf32, #tpu.memory_space<hbm>> -> memref<80x128xf32, #tpu.memory_space<hbm>>
    %dma_wait3A_93 = arith.constant 80 : i32
    %dma_wait3A_94 = arith.constant 0 : i32
    %dma_wait3A_95 = tpu.memref_slice %arg7[%dma_wait3A_93, %dma_wait3A_94] : memref<400x128xf32, #tpu.memory_space<vmem>> -> memref<80x128xf32, #tpu.memory_space<vmem>>
    %dma_wait3A_96 = arith.constant 0 : i32
    %dma_wait3A_97 = tpu.memref_slice %arg4[%mul3A_2, %dma_wait3A_96] : memref<320000x128xf32, #tpu.memory_space<hbm>> -> memref<80x128xf32, #tpu.memory_space<hbm>>
    tpu.wait_dma2 semaphore(%arg9 : memref<!tpu.dma_semaphore, #tpu.memory_space<semaphore_mem>>) src(%dma_wait3A_97 : memref<80x128xf32, #tpu.memory_space<hbm>>) dst(%dma_wait3A_95 : memref<80x128xf32, #tpu.memory_space<vmem>>)
    %add3A_98 = arith.constant 80 : i32
    %add3A_99 = arith.addi %mul3A_2, %add3A_98 : i32
    %dma_start3A_100 = arith.constant 80 : i32
    %dma_start3A_101 = arith.constant 0 : i32
    %dma_start3A_102 = tpu.memref_slice %arg7[%dma_start3A_100, %dma_start3A_101] : memref<400x128xf32, #tpu.memory_space<vmem>> -> memref<80x128xf32, #tpu.memory_space<vmem>>
    %dma_start3A_103 = arith.constant 0 : i32
    %dma_start3A_104 = tpu.memref_slice %arg4[%add3A_99, %dma_start3A_103] : memref<320000x128xf32, #tpu.memory_space<hbm>> -> memref<80x128xf32, #tpu.memory_space<hbm>>
    %dma_start3A_105 = arith.constant 0 : i32
    %dma_start3A_106 = tpu.memref_slice %arg4[%add3A_99, %dma_start3A_105] : memref<320000x128xf32, #tpu.memory_space<hbm>> -> memref<80x128xf32, #tpu.memory_space<hbm>>
    %dma_start3A_107 = arith.constant 80 : i32
    %dma_start3A_108 = arith.constant 0 : i32
    %dma_start3A_109 = tpu.memref_slice %arg7[%dma_start3A_107, %dma_start3A_108] : memref<400x128xf32, #tpu.memory_space<vmem>> -> memref<80x128xf32, #tpu.memory_space<vmem>>
    tpu.enqueue_dma source(%dma_start3A_109 : memref<80x128xf32, #tpu.memory_space<vmem>>) target(%dma_start3A_106 : memref<80x128xf32, #tpu.memory_space<hbm>>) target_semaphore(%arg14 : memref<!tpu.dma_semaphore, #tpu.memory_space<semaphore_mem>>)
    %scan3A = arith.constant 0 : i32
    %scan3A_110 = arith.constant 0 : i32
    %scan3A_111 = arith.constant 24 : i32
    %scan3A_112 = arith.addi %scan3A_110, %scan3A_111 : i32
    %scan3A_113 = arith.constant 1 : i32
    scf.for %scan3A_231 = %scan3A_110 to %scan3A_112 step %scan3A_113  : i32 {
      %mul3A_232 = arith.constant 5 : i32
      %mul3A_233 = arith.muli %scan3A_231, %mul3A_232 : i32
      %add3A_234 = arith.constant 5 : i32
      %add3A_235 = arith.addi %add3A_234, %mul3A_233 : i32
      %add3A_236 = arith.constant 0 : i32
      %add3A_237 = arith.addi %add3A_235, %add3A_236 : i32
      %dma_wait3A_238 = arith.constant 0 : i32
      %dma_wait3A_239 = arith.constant 0 : i32
      %dma_wait3A_240 = tpu.memref_slice %arg7[%dma_wait3A_238, %dma_wait3A_239] : memref<400x128xf32, #tpu.memory_space<vmem>> -> memref<80x128xf32, #tpu.memory_space<vmem>>
      %dma_wait3A_241 = arith.constant 0 : i32
      %dma_wait3A_242 = tpu.memref_slice %arg4[%mul3A_2, %dma_wait3A_241] : memref<320000x128xf32, #tpu.memory_space<hbm>> -> memref<80x128xf32, #tpu.memory_space<hbm>>
      %dma_wait3A_243 = arith.constant 0 : i32
      %dma_wait3A_244 = tpu.memref_slice %arg4[%mul3A_2, %dma_wait3A_243] : memref<320000x128xf32, #tpu.memory_space<hbm>> -> memref<80x128xf32, #tpu.memory_space<hbm>>
      %dma_wait3A_245 = arith.constant 0 : i32
      %dma_wait3A_246 = arith.constant 0 : i32
      %dma_wait3A_247 = tpu.memref_slice %arg7[%dma_wait3A_245, %dma_wait3A_246] : memref<400x128xf32, #tpu.memory_space<vmem>> -> memref<80x128xf32, #tpu.memory_space<vmem>>
      tpu.wait_dma2 semaphore(%arg13 : memref<!tpu.dma_semaphore, #tpu.memory_space<semaphore_mem>>) src(%dma_wait3A_247 : memref<80x128xf32, #tpu.memory_space<vmem>>) dst(%dma_wait3A_244 : memref<80x128xf32, #tpu.memory_space<hbm>>)
      %mul3A_248 = arith.constant 80 : i32
      %mul3A_249 = arith.muli %add3A_237, %mul3A_248 : i32
      %dma_start3A_250 = arith.constant 0 : i32
      %dma_start3A_251 = arith.constant 0 : i32
      %dma_start3A_252 = tpu.memref_slice %arg7[%dma_start3A_250, %dma_start3A_251] : memref<400x128xf32, #tpu.memory_space<vmem>> -> memref<80x128xf32, #tpu.memory_space<vmem>>
      %dma_start3A_253 = tpu.memref_slice %arg6[%mul3A_249] : memref<10000xi32, #tpu.memory_space<vmem>> -> memref<80xi32, #tpu.memory_space<vmem>>
      %dma_start3A_254 = arith.constant 0 : i32
      %dma_start3A_255 = arith.constant 0 : i32
      %dma_start3A_256 = tpu.memref_slice %arg5[%dma_start3A_254, %dma_start3A_255] : memref<2048x128xf32, #tpu.memory_space<vmem_shared>> -> memref<2048x128xf32, #tpu.memory_space<vmem_shared>>
      tpu.enqueue_indirect_dma source(%dma_start3A_256 : memref<2048x128xf32, #tpu.memory_space<vmem_shared>>) target(%dma_start3A_252 : memref<80x128xf32, #tpu.memory_space<vmem>>) offsets(%dma_start3A_253 : memref<80xi32, #tpu.memory_space<vmem>>) semaphore(%arg8 : memref<!tpu.dma_semaphore, #tpu.memory_space<semaphore_mem>>)
      %dma_wait3A_257 = arith.constant 160 : i32
      %dma_wait3A_258 = arith.constant 0 : i32
      %dma_wait3A_259 = tpu.memref_slice %arg7[%dma_wait3A_257, %dma_wait3A_258] : memref<400x128xf32, #tpu.memory_space<vmem>> -> memref<80x128xf32, #tpu.memory_space<vmem>>
      %dma_wait3A_260 = arith.constant 0 : i32
      %dma_wait3A_261 = tpu.memref_slice %arg4[%mul3A_2, %dma_wait3A_260] : memref<320000x128xf32, #tpu.memory_space<hbm>> -> memref<80x128xf32, #tpu.memory_space<hbm>>
      %dma_wait3A_262 = arith.constant 160 : i32
      %dma_wait3A_263 = arith.constant 0 : i32
      %dma_wait3A_264 = tpu.memref_slice %arg7[%dma_wait3A_262, %dma_wait3A_263] : memref<400x128xf32, #tpu.memory_space<vmem>> -> memref<80x128xf32, #tpu.memory_space<vmem>>
      %dma_wait3A_265 = arith.constant 0 : i32
      %dma_wait3A_266 = tpu.memref_slice %arg4[%mul3A_2, %dma_wait3A_265] : memref<320000x128xf32, #tpu.memory_space<hbm>> -> memref<80x128xf32, #tpu.memory_space<hbm>>
      tpu.wait_dma2 semaphore(%arg10 : memref<!tpu.dma_semaphore, #tpu.memory_space<semaphore_mem>>) src(%dma_wait3A_266 : memref<80x128xf32, #tpu.memory_space<hbm>>) dst(%dma_wait3A_264 : memref<80x128xf32, #tpu.memory_space<vmem>>)
      %sub3A = arith.constant 3 : i32
      %sub3A_267 = arith.subi %add3A_237, %sub3A : i32
      %mul3A_268 = arith.constant 80 : i32
      %mul3A_269 = arith.muli %sub3A_267, %mul3A_268 : i32
      %add3A_270 = arith.addi %mul3A_2, %mul3A_269 : i32
      %dma_start3A_271 = arith.constant 160 : i32
      %dma_start3A_272 = arith.constant 0 : i32
      %dma_start3A_273 = tpu.memref_slice %arg7[%dma_start3A_271, %dma_start3A_272] : memref<400x128xf32, #tpu.memory_space<vmem>> -> memref<80x128xf32, #tpu.memory_space<vmem>>
      %dma_start3A_274 = arith.constant 0 : i32
      %dma_start3A_275 = tpu.memref_slice %arg4[%add3A_270, %dma_start3A_274] : memref<320000x128xf32, #tpu.memory_space<hbm>> -> memref<80x128xf32, #tpu.memory_space<hbm>>
      %dma_start3A_276 = arith.constant 0 : i32
      %dma_start3A_277 = tpu.memref_slice %arg4[%add3A_270, %dma_start3A_276] : memref<320000x128xf32, #tpu.memory_space<hbm>> -> memref<80x128xf32, #tpu.memory_space<hbm>>
      %dma_start3A_278 = arith.constant 160 : i32
      %dma_start3A_279 = arith.constant 0 : i32
      %dma_start3A_280 = tpu.memref_slice %arg7[%dma_start3A_278, %dma_start3A_279] : memref<400x128xf32, #tpu.memory_space<vmem>> -> memref<80x128xf32, #tpu.memory_space<vmem>>
      tpu.enqueue_dma source(%dma_start3A_280 : memref<80x128xf32, #tpu.memory_space<vmem>>) target(%dma_start3A_277 : memref<80x128xf32, #tpu.memory_space<hbm>>) target_semaphore(%arg15 : memref<!tpu.dma_semaphore, #tpu.memory_space<semaphore_mem>>)
      %add3A_281 = arith.constant 1 : i32
      %add3A_282 = arith.addi %add3A_235, %add3A_281 : i32
      %dma_wait3A_283 = arith.constant 80 : i32
      %dma_wait3A_284 = arith.constant 0 : i32
      %dma_wait3A_285 = tpu.memref_slice %arg7[%dma_wait3A_283, %dma_wait3A_284] : memref<400x128xf32, #tpu.memory_space<vmem>> -> memref<80x128xf32, #tpu.memory_space<vmem>>
      %dma_wait3A_286 = arith.constant 0 : i32
      %dma_wait3A_287 = tpu.memref_slice %arg4[%mul3A_2, %dma_wait3A_286] : memref<320000x128xf32, #tpu.memory_space<hbm>> -> memref<80x128xf32, #tpu.memory_space<hbm>>
      %dma_wait3A_288 = arith.constant 0 : i32
      %dma_wait3A_289 = tpu.memref_slice %arg4[%mul3A_2, %dma_wait3A_288] : memref<320000x128xf32, #tpu.memory_space<hbm>> -> memref<80x128xf32, #tpu.memory_space<hbm>>
      %dma_wait3A_290 = arith.constant 80 : i32
      %dma_wait3A_291 = arith.constant 0 : i32
      %dma_wait3A_292 = tpu.memref_slice %arg7[%dma_wait3A_290, %dma_wait3A_291] : memref<400x128xf32, #tpu.memory_space<vmem>> -> memref<80x128xf32, #tpu.memory_space<vmem>>
      tpu.wait_dma2 semaphore(%arg14 : memref<!tpu.dma_semaphore, #tpu.memory_space<semaphore_mem>>) src(%dma_wait3A_292 : memref<80x128xf32, #tpu.memory_space<vmem>>) dst(%dma_wait3A_289 : memref<80x128xf32, #tpu.memory_space<hbm>>)
      %mul3A_293 = arith.constant 80 : i32
      %mul3A_294 = arith.muli %add3A_282, %mul3A_293 : i32
      %dma_start3A_295 = arith.constant 80 : i32
      %dma_start3A_296 = arith.constant 0 : i32
      %dma_start3A_297 = tpu.memref_slice %arg7[%dma_start3A_295, %dma_start3A_296] : memref<400x128xf32, #tpu.memory_space<vmem>> -> memref<80x128xf32, #tpu.memory_space<vmem>>
      %dma_start3A_298 = tpu.memref_slice %arg6[%mul3A_294] : memref<10000xi32, #tpu.memory_space<vmem>> -> memref<80xi32, #tpu.memory_space<vmem>>
      %dma_start3A_299 = arith.constant 0 : i32
      %dma_start3A_300 = arith.constant 0 : i32
      %dma_start3A_301 = tpu.memref_slice %arg5[%dma_start3A_299, %dma_start3A_300] : memref<2048x128xf32, #tpu.memory_space<vmem_shared>> -> memref<2048x128xf32, #tpu.memory_space<vmem_shared>>
      tpu.enqueue_indirect_dma source(%dma_start3A_301 : memref<2048x128xf32, #tpu.memory_space<vmem_shared>>) target(%dma_start3A_297 : memref<80x128xf32, #tpu.memory_space<vmem>>) offsets(%dma_start3A_298 : memref<80xi32, #tpu.memory_space<vmem>>) semaphore(%arg9 : memref<!tpu.dma_semaphore, #tpu.memory_space<semaphore_mem>>)
      %dma_wait3A_302 = arith.constant 240 : i32
      %dma_wait3A_303 = arith.constant 0 : i32
      %dma_wait3A_304 = tpu.memref_slice %arg7[%dma_wait3A_302, %dma_wait3A_303] : memref<400x128xf32, #tpu.memory_space<vmem>> -> memref<80x128xf32, #tpu.memory_space<vmem>>
      %dma_wait3A_305 = arith.constant 0 : i32
      %dma_wait3A_306 = tpu.memref_slice %arg4[%mul3A_2, %dma_wait3A_305] : memref<320000x128xf32, #tpu.memory_space<hbm>> -> memref<80x128xf32, #tpu.memory_space<hbm>>
      %dma_wait3A_307 = arith.constant 240 : i32
      %dma_wait3A_308 = arith.constant 0 : i32
      %dma_wait3A_309 = tpu.memref_slice %arg7[%dma_wait3A_307, %dma_wait3A_308] : memref<400x128xf32, #tpu.memory_space<vmem>> -> memref<80x128xf32, #tpu.memory_space<vmem>>
      %dma_wait3A_310 = arith.constant 0 : i32
      %dma_wait3A_311 = tpu.memref_slice %arg4[%mul3A_2, %dma_wait3A_310] : memref<320000x128xf32, #tpu.memory_space<hbm>> -> memref<80x128xf32, #tpu.memory_space<hbm>>
      tpu.wait_dma2 semaphore(%arg11 : memref<!tpu.dma_semaphore, #tpu.memory_space<semaphore_mem>>) src(%dma_wait3A_311 : memref<80x128xf32, #tpu.memory_space<hbm>>) dst(%dma_wait3A_309 : memref<80x128xf32, #tpu.memory_space<vmem>>)
      %sub3A_312 = arith.constant 3 : i32
      %sub3A_313 = arith.subi %add3A_282, %sub3A_312 : i32
      %mul3A_314 = arith.constant 80 : i32
      %mul3A_315 = arith.muli %sub3A_313, %mul3A_314 : i32
      %add3A_316 = arith.addi %mul3A_2, %mul3A_315 : i32
      %dma_start3A_317 = arith.constant 240 : i32
      %dma_start3A_318 = arith.constant 0 : i32
      %dma_start3A_319 = tpu.memref_slice %arg7[%dma_start3A_317, %dma_start3A_318] : memref<400x128xf32, #tpu.memory_space<vmem>> -> memref<80x128xf32, #tpu.memory_space<vmem>>
      %dma_start3A_320 = arith.constant 0 : i32
      %dma_start3A_321 = tpu.memref_slice %arg4[%add3A_316, %dma_start3A_320] : memref<320000x128xf32, #tpu.memory_space<hbm>> -> memref<80x128xf32, #tpu.memory_space<hbm>>
      %dma_start3A_322 = arith.constant 0 : i32
      %dma_start3A_323 = tpu.memref_slice %arg4[%add3A_316, %dma_start3A_322] : memref<320000x128xf32, #tpu.memory_space<hbm>> -> memref<80x128xf32, #tpu.memory_space<hbm>>
      %dma_start3A_324 = arith.constant 240 : i32
      %dma_start3A_325 = arith.constant 0 : i32
      %dma_start3A_326 = tpu.memref_slice %arg7[%dma_start3A_324, %dma_start3A_325] : memref<400x128xf32, #tpu.memory_space<vmem>> -> memref<80x128xf32, #tpu.memory_space<vmem>>
      tpu.enqueue_dma source(%dma_start3A_326 : memref<80x128xf32, #tpu.memory_space<vmem>>) target(%dma_start3A_323 : memref<80x128xf32, #tpu.memory_space<hbm>>) target_semaphore(%arg16 : memref<!tpu.dma_semaphore, #tpu.memory_space<semaphore_mem>>)
      %add3A_327 = arith.constant 2 : i32
      %add3A_328 = arith.addi %add3A_235, %add3A_327 : i32
      %dma_wait3A_329 = arith.constant 160 : i32
      %dma_wait3A_330 = arith.constant 0 : i32
      %dma_wait3A_331 = tpu.memref_slice %arg7[%dma_wait3A_329, %dma_wait3A_330] : memref<400x128xf32, #tpu.memory_space<vmem>> -> memref<80x128xf32, #tpu.memory_space<vmem>>
      %dma_wait3A_332 = arith.constant 0 : i32
      %dma_wait3A_333 = tpu.memref_slice %arg4[%mul3A_2, %dma_wait3A_332] : memref<320000x128xf32, #tpu.memory_space<hbm>> -> memref<80x128xf32, #tpu.memory_space<hbm>>
      %dma_wait3A_334 = arith.constant 0 : i32
      %dma_wait3A_335 = tpu.memref_slice %arg4[%mul3A_2, %dma_wait3A_334] : memref<320000x128xf32, #tpu.memory_space<hbm>> -> memref<80x128xf32, #tpu.memory_space<hbm>>
      %dma_wait3A_336 = arith.constant 160 : i32
      %dma_wait3A_337 = arith.constant 0 : i32
      %dma_wait3A_338 = tpu.memref_slice %arg7[%dma_wait3A_336, %dma_wait3A_337] : memref<400x128xf32, #tpu.memory_space<vmem>> -> memref<80x128xf32, #tpu.memory_space<vmem>>
      tpu.wait_dma2 semaphore(%arg15 : memref<!tpu.dma_semaphore, #tpu.memory_space<semaphore_mem>>) src(%dma_wait3A_338 : memref<80x128xf32, #tpu.memory_space<vmem>>) dst(%dma_wait3A_335 : memref<80x128xf32, #tpu.memory_space<hbm>>)
      %mul3A_339 = arith.constant 80 : i32
      %mul3A_340 = arith.muli %add3A_328, %mul3A_339 : i32
      %dma_start3A_341 = arith.constant 160 : i32
      %dma_start3A_342 = arith.constant 0 : i32
      %dma_start3A_343 = tpu.memref_slice %arg7[%dma_start3A_341, %dma_start3A_342] : memref<400x128xf32, #tpu.memory_space<vmem>> -> memref<80x128xf32, #tpu.memory_space<vmem>>
      %dma_start3A_344 = tpu.memref_slice %arg6[%mul3A_340] : memref<10000xi32, #tpu.memory_space<vmem>> -> memref<80xi32, #tpu.memory_space<vmem>>
      %dma_start3A_345 = arith.constant 0 : i32
      %dma_start3A_346 = arith.constant 0 : i32
      %dma_start3A_347 = tpu.memref_slice %arg5[%dma_start3A_345, %dma_start3A_346] : memref<2048x128xf32, #tpu.memory_space<vmem_shared>> -> memref<2048x128xf32, #tpu.memory_space<vmem_shared>>
      tpu.enqueue_indirect_dma source(%dma_start3A_347 : memref<2048x128xf32, #tpu.memory_space<vmem_shared>>) target(%dma_start3A_343 : memref<80x128xf32, #tpu.memory_space<vmem>>) offsets(%dma_start3A_344 : memref<80xi32, #tpu.memory_space<vmem>>) semaphore(%arg10 : memref<!tpu.dma_semaphore, #tpu.memory_space<semaphore_mem>>)
      %dma_wait3A_348 = arith.constant 320 : i32
      %dma_wait3A_349 = arith.constant 0 : i32
      %dma_wait3A_350 = tpu.memref_slice %arg7[%dma_wait3A_348, %dma_wait3A_349] : memref<400x128xf32, #tpu.memory_space<vmem>> -> memref<80x128xf32, #tpu.memory_space<vmem>>
      %dma_wait3A_351 = arith.constant 0 : i32
      %dma_wait3A_352 = tpu.memref_slice %arg4[%mul3A_2, %dma_wait3A_351] : memref<320000x128xf32, #tpu.memory_space<hbm>> -> memref<80x128xf32, #tpu.memory_space<hbm>>
      %dma_wait3A_353 = arith.constant 320 : i32
      %dma_wait3A_354 = arith.constant 0 : i32
      %dma_wait3A_355 = tpu.memref_slice %arg7[%dma_wait3A_353, %dma_wait3A_354] : memref<400x128xf32, #tpu.memory_space<vmem>> -> memref<80x128xf32, #tpu.memory_space<vmem>>
      %dma_wait3A_356 = arith.constant 0 : i32
      %dma_wait3A_357 = tpu.memref_slice %arg4[%mul3A_2, %dma_wait3A_356] : memref<320000x128xf32, #tpu.memory_space<hbm>> -> memref<80x128xf32, #tpu.memory_space<hbm>>
      tpu.wait_dma2 semaphore(%arg12 : memref<!tpu.dma_semaphore, #tpu.memory_space<semaphore_mem>>) src(%dma_wait3A_357 : memref<80x128xf32, #tpu.memory_space<hbm>>) dst(%dma_wait3A_355 : memref<80x128xf32, #tpu.memory_space<vmem>>)
      %sub3A_358 = arith.constant 3 : i32
      %sub3A_359 = arith.subi %add3A_328, %sub3A_358 : i32
      %mul3A_360 = arith.constant 80 : i32
      %mul3A_361 = arith.muli %sub3A_359, %mul3A_360 : i32
      %add3A_362 = arith.addi %mul3A_2, %mul3A_361 : i32
      %dma_start3A_363 = arith.constant 320 : i32
      %dma_start3A_364 = arith.constant 0 : i32
      %dma_start3A_365 = tpu.memref_slice %arg7[%dma_start3A_363, %dma_start3A_364] : memref<400x128xf32, #tpu.memory_space<vmem>> -> memref<80x128xf32, #tpu.memory_space<vmem>>
      %dma_start3A_366 = arith.constant 0 : i32
      %dma_start3A_367 = tpu.memref_slice %arg4[%add3A_362, %dma_start3A_366] : memref<320000x128xf32, #tpu.memory_space<hbm>> -> memref<80x128xf32, #tpu.memory_space<hbm>>
      %dma_start3A_368 = arith.constant 0 : i32
      %dma_start3A_369 = tpu.memref_slice %arg4[%add3A_362, %dma_start3A_368] : memref<320000x128xf32, #tpu.memory_space<hbm>> -> memref<80x128xf32, #tpu.memory_space<hbm>>
      %dma_start3A_370 = arith.constant 320 : i32
      %dma_start3A_371 = arith.constant 0 : i32
      %dma_start3A_372 = tpu.memref_slice %arg7[%dma_start3A_370, %dma_start3A_371] : memref<400x128xf32, #tpu.memory_space<vmem>> -> memref<80x128xf32, #tpu.memory_space<vmem>>
      tpu.enqueue_dma source(%dma_start3A_372 : memref<80x128xf32, #tpu.memory_space<vmem>>) target(%dma_start3A_369 : memref<80x128xf32, #tpu.memory_space<hbm>>) target_semaphore(%arg17 : memref<!tpu.dma_semaphore, #tpu.memory_space<semaphore_mem>>)
      %add3A_373 = arith.constant 3 : i32
      %add3A_374 = arith.addi %add3A_235, %add3A_373 : i32
      %dma_wait3A_375 = arith.constant 240 : i32
      %dma_wait3A_376 = arith.constant 0 : i32
      %dma_wait3A_377 = tpu.memref_slice %arg7[%dma_wait3A_375, %dma_wait3A_376] : memref<400x128xf32, #tpu.memory_space<vmem>> -> memref<80x128xf32, #tpu.memory_space<vmem>>
      %dma_wait3A_378 = arith.constant 0 : i32
      %dma_wait3A_379 = tpu.memref_slice %arg4[%mul3A_2, %dma_wait3A_378] : memref<320000x128xf32, #tpu.memory_space<hbm>> -> memref<80x128xf32, #tpu.memory_space<hbm>>
      %dma_wait3A_380 = arith.constant 0 : i32
      %dma_wait3A_381 = tpu.memref_slice %arg4[%mul3A_2, %dma_wait3A_380] : memref<320000x128xf32, #tpu.memory_space<hbm>> -> memref<80x128xf32, #tpu.memory_space<hbm>>
      %dma_wait3A_382 = arith.constant 240 : i32
      %dma_wait3A_383 = arith.constant 0 : i32
      %dma_wait3A_384 = tpu.memref_slice %arg7[%dma_wait3A_382, %dma_wait3A_383] : memref<400x128xf32, #tpu.memory_space<vmem>> -> memref<80x128xf32, #tpu.memory_space<vmem>>
      tpu.wait_dma2 semaphore(%arg16 : memref<!tpu.dma_semaphore, #tpu.memory_space<semaphore_mem>>) src(%dma_wait3A_384 : memref<80x128xf32, #tpu.memory_space<vmem>>) dst(%dma_wait3A_381 : memref<80x128xf32, #tpu.memory_space<hbm>>)
      %mul3A_385 = arith.constant 80 : i32
      %mul3A_386 = arith.muli %add3A_374, %mul3A_385 : i32
      %dma_start3A_387 = arith.constant 240 : i32
      %dma_start3A_388 = arith.constant 0 : i32
      %dma_start3A_389 = tpu.memref_slice %arg7[%dma_start3A_387, %dma_start3A_388] : memref<400x128xf32, #tpu.memory_space<vmem>> -> memref<80x128xf32, #tpu.memory_space<vmem>>
      %dma_start3A_390 = tpu.memref_slice %arg6[%mul3A_386] : memref<10000xi32, #tpu.memory_space<vmem>> -> memref<80xi32, #tpu.memory_space<vmem>>
      %dma_start3A_391 = arith.constant 0 : i32
      %dma_start3A_392 = arith.constant 0 : i32
      %dma_start3A_393 = tpu.memref_slice %arg5[%dma_start3A_391, %dma_start3A_392] : memref<2048x128xf32, #tpu.memory_space<vmem_shared>> -> memref<2048x128xf32, #tpu.memory_space<vmem_shared>>
      tpu.enqueue_indirect_dma source(%dma_start3A_393 : memref<2048x128xf32, #tpu.memory_space<vmem_shared>>) target(%dma_start3A_389 : memref<80x128xf32, #tpu.memory_space<vmem>>) offsets(%dma_start3A_390 : memref<80xi32, #tpu.memory_space<vmem>>) semaphore(%arg11 : memref<!tpu.dma_semaphore, #tpu.memory_space<semaphore_mem>>)
      %dma_wait3A_394 = arith.constant 0 : i32
      %dma_wait3A_395 = arith.constant 0 : i32
      %dma_wait3A_396 = tpu.memref_slice %arg7[%dma_wait3A_394, %dma_wait3A_395] : memref<400x128xf32, #tpu.memory_space<vmem>> -> memref<80x128xf32, #tpu.memory_space<vmem>>
      %dma_wait3A_397 = arith.constant 0 : i32
      %dma_wait3A_398 = tpu.memref_slice %arg4[%mul3A_2, %dma_wait3A_397] : memref<320000x128xf32, #tpu.memory_space<hbm>> -> memref<80x128xf32, #tpu.memory_space<hbm>>
      %dma_wait3A_399 = arith.constant 0 : i32
      %dma_wait3A_400 = arith.constant 0 : i32
      %dma_wait3A_401 = tpu.memref_slice %arg7[%dma_wait3A_399, %dma_wait3A_400] : memref<400x128xf32, #tpu.memory_space<vmem>> -> memref<80x128xf32, #tpu.memory_space<vmem>>
      %dma_wait3A_402 = arith.constant 0 : i32
      %dma_wait3A_403 = tpu.memref_slice %arg4[%mul3A_2, %dma_wait3A_402] : memref<320000x128xf32, #tpu.memory_space<hbm>> -> memref<80x128xf32, #tpu.memory_space<hbm>>
      tpu.wait_dma2 semaphore(%arg8 : memref<!tpu.dma_semaphore, #tpu.memory_space<semaphore_mem>>) src(%dma_wait3A_403 : memref<80x128xf32, #tpu.memory_space<hbm>>) dst(%dma_wait3A_401 : memref<80x128xf32, #tpu.memory_space<vmem>>)
      %sub3A_404 = arith.constant 3 : i32
      %sub3A_405 = arith.subi %add3A_374, %sub3A_404 : i32
      %mul3A_406 = arith.constant 80 : i32
      %mul3A_407 = arith.muli %sub3A_405, %mul3A_406 : i32
      %add3A_408 = arith.addi %mul3A_2, %mul3A_407 : i32
      %dma_start3A_409 = arith.constant 0 : i32
      %dma_start3A_410 = arith.constant 0 : i32
      %dma_start3A_411 = tpu.memref_slice %arg7[%dma_start3A_409, %dma_start3A_410] : memref<400x128xf32, #tpu.memory_space<vmem>> -> memref<80x128xf32, #tpu.memory_space<vmem>>
      %dma_start3A_412 = arith.constant 0 : i32
      %dma_start3A_413 = tpu.memref_slice %arg4[%add3A_408, %dma_start3A_412] : memref<320000x128xf32, #tpu.memory_space<hbm>> -> memref<80x128xf32, #tpu.memory_space<hbm>>
      %dma_start3A_414 = arith.constant 0 : i32
      %dma_start3A_415 = tpu.memref_slice %arg4[%add3A_408, %dma_start3A_414] : memref<320000x128xf32, #tpu.memory_space<hbm>> -> memref<80x128xf32, #tpu.memory_space<hbm>>
      %dma_start3A_416 = arith.constant 0 : i32
      %dma_start3A_417 = arith.constant 0 : i32
      %dma_start3A_418 = tpu.memref_slice %arg7[%dma_start3A_416, %dma_start3A_417] : memref<400x128xf32, #tpu.memory_space<vmem>> -> memref<80x128xf32, #tpu.memory_space<vmem>>
      tpu.enqueue_dma source(%dma_start3A_418 : memref<80x128xf32, #tpu.memory_space<vmem>>) target(%dma_start3A_415 : memref<80x128xf32, #tpu.memory_space<hbm>>) target_semaphore(%arg13 : memref<!tpu.dma_semaphore, #tpu.memory_space<semaphore_mem>>)
      %add3A_419 = arith.constant 4 : i32
      %add3A_420 = arith.addi %add3A_235, %add3A_419 : i32
      %dma_wait3A_421 = arith.constant 320 : i32
      %dma_wait3A_422 = arith.constant 0 : i32
      %dma_wait3A_423 = tpu.memref_slice %arg7[%dma_wait3A_421, %dma_wait3A_422] : memref<400x128xf32, #tpu.memory_space<vmem>> -> memref<80x128xf32, #tpu.memory_space<vmem>>
      %dma_wait3A_424 = arith.constant 0 : i32
      %dma_wait3A_425 = tpu.memref_slice %arg4[%mul3A_2, %dma_wait3A_424] : memref<320000x128xf32, #tpu.memory_space<hbm>> -> memref<80x128xf32, #tpu.memory_space<hbm>>
      %dma_wait3A_426 = arith.constant 0 : i32
      %dma_wait3A_427 = tpu.memref_slice %arg4[%mul3A_2, %dma_wait3A_426] : memref<320000x128xf32, #tpu.memory_space<hbm>> -> memref<80x128xf32, #tpu.memory_space<hbm>>
      %dma_wait3A_428 = arith.constant 320 : i32
      %dma_wait3A_429 = arith.constant 0 : i32
      %dma_wait3A_430 = tpu.memref_slice %arg7[%dma_wait3A_428, %dma_wait3A_429] : memref<400x128xf32, #tpu.memory_space<vmem>> -> memref<80x128xf32, #tpu.memory_space<vmem>>
      tpu.wait_dma2 semaphore(%arg17 : memref<!tpu.dma_semaphore, #tpu.memory_space<semaphore_mem>>) src(%dma_wait3A_430 : memref<80x128xf32, #tpu.memory_space<vmem>>) dst(%dma_wait3A_427 : memref<80x128xf32, #tpu.memory_space<hbm>>)
      %mul3A_431 = arith.constant 80 : i32
      %mul3A_432 = arith.muli %add3A_420, %mul3A_431 : i32
      %dma_start3A_433 = arith.constant 320 : i32
      %dma_start3A_434 = arith.constant 0 : i32
      %dma_start3A_435 = tpu.memref_slice %arg7[%dma_start3A_433, %dma_start3A_434] : memref<400x128xf32, #tpu.memory_space<vmem>> -> memref<80x128xf32, #tpu.memory_space<vmem>>
      %dma_start3A_436 = tpu.memref_slice %arg6[%mul3A_432] : memref<10000xi32, #tpu.memory_space<vmem>> -> memref<80xi32, #tpu.memory_space<vmem>>
      %dma_start3A_437 = arith.constant 0 : i32
      %dma_start3A_438 = arith.constant 0 : i32
      %dma_start3A_439 = tpu.memref_slice %arg5[%dma_start3A_437, %dma_start3A_438] : memref<2048x128xf32, #tpu.memory_space<vmem_shared>> -> memref<2048x128xf32, #tpu.memory_space<vmem_shared>>
      tpu.enqueue_indirect_dma source(%dma_start3A_439 : memref<2048x128xf32, #tpu.memory_space<vmem_shared>>) target(%dma_start3A_435 : memref<80x128xf32, #tpu.memory_space<vmem>>) offsets(%dma_start3A_436 : memref<80xi32, #tpu.memory_space<vmem>>) semaphore(%arg12 : memref<!tpu.dma_semaphore, #tpu.memory_space<semaphore_mem>>)
      %dma_wait3A_440 = arith.constant 80 : i32
      %dma_wait3A_441 = arith.constant 0 : i32
      %dma_wait3A_442 = tpu.memref_slice %arg7[%dma_wait3A_440, %dma_wait3A_441] : memref<400x128xf32, #tpu.memory_space<vmem>> -> memref<80x128xf32, #tpu.memory_space<vmem>>
      %dma_wait3A_443 = arith.constant 0 : i32
      %dma_wait3A_444 = tpu.memref_slice %arg4[%mul3A_2, %dma_wait3A_443] : memref<320000x128xf32, #tpu.memory_space<hbm>> -> memref<80x128xf32, #tpu.memory_space<hbm>>
      %dma_wait3A_445 = arith.constant 80 : i32
      %dma_wait3A_446 = arith.constant 0 : i32
      %dma_wait3A_447 = tpu.memref_slice %arg7[%dma_wait3A_445, %dma_wait3A_446] : memref<400x128xf32, #tpu.memory_space<vmem>> -> memref<80x128xf32, #tpu.memory_space<vmem>>
      %dma_wait3A_448 = arith.constant 0 : i32
      %dma_wait3A_449 = tpu.memref_slice %arg4[%mul3A_2, %dma_wait3A_448] : memref<320000x128xf32, #tpu.memory_space<hbm>> -> memref<80x128xf32, #tpu.memory_space<hbm>>
      tpu.wait_dma2 semaphore(%arg9 : memref<!tpu.dma_semaphore, #tpu.memory_space<semaphore_mem>>) src(%dma_wait3A_449 : memref<80x128xf32, #tpu.memory_space<hbm>>) dst(%dma_wait3A_447 : memref<80x128xf32, #tpu.memory_space<vmem>>)
      %sub3A_450 = arith.constant 3 : i32
      %sub3A_451 = arith.subi %add3A_420, %sub3A_450 : i32
      %mul3A_452 = arith.constant 80 : i32
      %mul3A_453 = arith.muli %sub3A_451, %mul3A_452 : i32
      %add3A_454 = arith.addi %mul3A_2, %mul3A_453 : i32
      %dma_start3A_455 = arith.constant 80 : i32
      %dma_start3A_456 = arith.constant 0 : i32
      %dma_start3A_457 = tpu.memref_slice %arg7[%dma_start3A_455, %dma_start3A_456] : memref<400x128xf32, #tpu.memory_space<vmem>> -> memref<80x128xf32, #tpu.memory_space<vmem>>
      %dma_start3A_458 = arith.constant 0 : i32
      %dma_start3A_459 = tpu.memref_slice %arg4[%add3A_454, %dma_start3A_458] : memref<320000x128xf32, #tpu.memory_space<hbm>> -> memref<80x128xf32, #tpu.memory_space<hbm>>
      %dma_start3A_460 = arith.constant 0 : i32
      %dma_start3A_461 = tpu.memref_slice %arg4[%add3A_454, %dma_start3A_460] : memref<320000x128xf32, #tpu.memory_space<hbm>> -> memref<80x128xf32, #tpu.memory_space<hbm>>
      %dma_start3A_462 = arith.constant 80 : i32
      %dma_start3A_463 = arith.constant 0 : i32
      %dma_start3A_464 = tpu.memref_slice %arg7[%dma_start3A_462, %dma_start3A_463] : memref<400x128xf32, #tpu.memory_space<vmem>> -> memref<80x128xf32, #tpu.memory_space<vmem>>
      tpu.enqueue_dma source(%dma_start3A_464 : memref<80x128xf32, #tpu.memory_space<vmem>>) target(%dma_start3A_461 : memref<80x128xf32, #tpu.memory_space<hbm>>) target_semaphore(%arg14 : memref<!tpu.dma_semaphore, #tpu.memory_space<semaphore_mem>>)
    }
    %scan3A_114 = arith.constant 24 : i32
    %dma_wait3A_115 = arith.constant 160 : i32
    %dma_wait3A_116 = arith.constant 0 : i32
    %dma_wait3A_117 = tpu.memref_slice %arg7[%dma_wait3A_115, %dma_wait3A_116] : memref<400x128xf32, #tpu.memory_space<vmem>> -> memref<80x128xf32, #tpu.memory_space<vmem>>
    %dma_wait3A_118 = arith.constant 0 : i32
    %dma_wait3A_119 = tpu.memref_slice %arg4[%mul3A_2, %dma_wait3A_118] : memref<320000x128xf32, #tpu.memory_space<hbm>> -> memref<80x128xf32, #tpu.memory_space<hbm>>
    %dma_wait3A_120 = arith.constant 160 : i32
    %dma_wait3A_121 = arith.constant 0 : i32
    %dma_wait3A_122 = tpu.memref_slice %arg7[%dma_wait3A_120, %dma_wait3A_121] : memref<400x128xf32, #tpu.memory_space<vmem>> -> memref<80x128xf32, #tpu.memory_space<vmem>>
    %dma_wait3A_123 = arith.constant 0 : i32
    %dma_wait3A_124 = tpu.memref_slice %arg4[%mul3A_2, %dma_wait3A_123] : memref<320000x128xf32, #tpu.memory_space<hbm>> -> memref<80x128xf32, #tpu.memory_space<hbm>>
    tpu.wait_dma2 semaphore(%arg10 : memref<!tpu.dma_semaphore, #tpu.memory_space<semaphore_mem>>) src(%dma_wait3A_124 : memref<80x128xf32, #tpu.memory_space<hbm>>) dst(%dma_wait3A_122 : memref<80x128xf32, #tpu.memory_space<vmem>>)
    %add3A_125 = arith.constant 9760 : i32
    %add3A_126 = arith.addi %mul3A_2, %add3A_125 : i32
    %dma_start3A_127 = arith.constant 160 : i32
    %dma_start3A_128 = arith.constant 0 : i32
    %dma_start3A_129 = tpu.memref_slice %arg7[%dma_start3A_127, %dma_start3A_128] : memref<400x128xf32, #tpu.memory_space<vmem>> -> memref<80x128xf32, #tpu.memory_space<vmem>>
    %dma_start3A_130 = arith.constant 0 : i32
    %dma_start3A_131 = tpu.memref_slice %arg4[%add3A_126, %dma_start3A_130] : memref<320000x128xf32, #tpu.memory_space<hbm>> -> memref<80x128xf32, #tpu.memory_space<hbm>>
    %dma_start3A_132 = arith.constant 0 : i32
    %dma_start3A_133 = tpu.memref_slice %arg4[%add3A_126, %dma_start3A_132] : memref<320000x128xf32, #tpu.memory_space<hbm>> -> memref<80x128xf32, #tpu.memory_space<hbm>>
    %dma_start3A_134 = arith.constant 160 : i32
    %dma_start3A_135 = arith.constant 0 : i32
    %dma_start3A_136 = tpu.memref_slice %arg7[%dma_start3A_134, %dma_start3A_135] : memref<400x128xf32, #tpu.memory_space<vmem>> -> memref<80x128xf32, #tpu.memory_space<vmem>>
    tpu.enqueue_dma source(%dma_start3A_136 : memref<80x128xf32, #tpu.memory_space<vmem>>) target(%dma_start3A_133 : memref<80x128xf32, #tpu.memory_space<hbm>>) target_semaphore(%arg15 : memref<!tpu.dma_semaphore, #tpu.memory_space<semaphore_mem>>)
    %dma_wait3A_137 = arith.constant 240 : i32
    %dma_wait3A_138 = arith.constant 0 : i32
    %dma_wait3A_139 = tpu.memref_slice %arg7[%dma_wait3A_137, %dma_wait3A_138] : memref<400x128xf32, #tpu.memory_space<vmem>> -> memref<80x128xf32, #tpu.memory_space<vmem>>
    %dma_wait3A_140 = arith.constant 0 : i32
    %dma_wait3A_141 = tpu.memref_slice %arg4[%mul3A_2, %dma_wait3A_140] : memref<320000x128xf32, #tpu.memory_space<hbm>> -> memref<80x128xf32, #tpu.memory_space<hbm>>
    %dma_wait3A_142 = arith.constant 240 : i32
    %dma_wait3A_143 = arith.constant 0 : i32
    %dma_wait3A_144 = tpu.memref_slice %arg7[%dma_wait3A_142, %dma_wait3A_143] : memref<400x128xf32, #tpu.memory_space<vmem>> -> memref<80x128xf32, #tpu.memory_space<vmem>>
    %dma_wait3A_145 = arith.constant 0 : i32
    %dma_wait3A_146 = tpu.memref_slice %arg4[%mul3A_2, %dma_wait3A_145] : memref<320000x128xf32, #tpu.memory_space<hbm>> -> memref<80x128xf32, #tpu.memory_space<hbm>>
    tpu.wait_dma2 semaphore(%arg11 : memref<!tpu.dma_semaphore, #tpu.memory_space<semaphore_mem>>) src(%dma_wait3A_146 : memref<80x128xf32, #tpu.memory_space<hbm>>) dst(%dma_wait3A_144 : memref<80x128xf32, #tpu.memory_space<vmem>>)
    %add3A_147 = arith.constant 9840 : i32
    %add3A_148 = arith.addi %mul3A_2, %add3A_147 : i32
    %dma_start3A_149 = arith.constant 240 : i32
    %dma_start3A_150 = arith.constant 0 : i32
    %dma_start3A_151 = tpu.memref_slice %arg7[%dma_start3A_149, %dma_start3A_150] : memref<400x128xf32, #tpu.memory_space<vmem>> -> memref<80x128xf32, #tpu.memory_space<vmem>>
    %dma_start3A_152 = arith.constant 0 : i32
    %dma_start3A_153 = tpu.memref_slice %arg4[%add3A_148, %dma_start3A_152] : memref<320000x128xf32, #tpu.memory_space<hbm>> -> memref<80x128xf32, #tpu.memory_space<hbm>>
    %dma_start3A_154 = arith.constant 0 : i32
    %dma_start3A_155 = tpu.memref_slice %arg4[%add3A_148, %dma_start3A_154] : memref<320000x128xf32, #tpu.memory_space<hbm>> -> memref<80x128xf32, #tpu.memory_space<hbm>>
    %dma_start3A_156 = arith.constant 240 : i32
    %dma_start3A_157 = arith.constant 0 : i32
    %dma_start3A_158 = tpu.memref_slice %arg7[%dma_start3A_156, %dma_start3A_157] : memref<400x128xf32, #tpu.memory_space<vmem>> -> memref<80x128xf32, #tpu.memory_space<vmem>>
    tpu.enqueue_dma source(%dma_start3A_158 : memref<80x128xf32, #tpu.memory_space<vmem>>) target(%dma_start3A_155 : memref<80x128xf32, #tpu.memory_space<hbm>>) target_semaphore(%arg16 : memref<!tpu.dma_semaphore, #tpu.memory_space<semaphore_mem>>)
    %dma_wait3A_159 = arith.constant 320 : i32
    %dma_wait3A_160 = arith.constant 0 : i32
    %dma_wait3A_161 = tpu.memref_slice %arg7[%dma_wait3A_159, %dma_wait3A_160] : memref<400x128xf32, #tpu.memory_space<vmem>> -> memref<80x128xf32, #tpu.memory_space<vmem>>
    %dma_wait3A_162 = arith.constant 0 : i32
    %dma_wait3A_163 = tpu.memref_slice %arg4[%mul3A_2, %dma_wait3A_162] : memref<320000x128xf32, #tpu.memory_space<hbm>> -> memref<80x128xf32, #tpu.memory_space<hbm>>
    %dma_wait3A_164 = arith.constant 320 : i32
    %dma_wait3A_165 = arith.constant 0 : i32
    %dma_wait3A_166 = tpu.memref_slice %arg7[%dma_wait3A_164, %dma_wait3A_165] : memref<400x128xf32, #tpu.memory_space<vmem>> -> memref<80x128xf32, #tpu.memory_space<vmem>>
    %dma_wait3A_167 = arith.constant 0 : i32
    %dma_wait3A_168 = tpu.memref_slice %arg4[%mul3A_2, %dma_wait3A_167] : memref<320000x128xf32, #tpu.memory_space<hbm>> -> memref<80x128xf32, #tpu.memory_space<hbm>>
    tpu.wait_dma2 semaphore(%arg12 : memref<!tpu.dma_semaphore, #tpu.memory_space<semaphore_mem>>) src(%dma_wait3A_168 : memref<80x128xf32, #tpu.memory_space<hbm>>) dst(%dma_wait3A_166 : memref<80x128xf32, #tpu.memory_space<vmem>>)
    %add3A_169 = arith.constant 9920 : i32
    %add3A_170 = arith.addi %mul3A_2, %add3A_169 : i32
    %dma_start3A_171 = arith.constant 320 : i32
    %dma_start3A_172 = arith.constant 0 : i32
    %dma_start3A_173 = tpu.memref_slice %arg7[%dma_start3A_171, %dma_start3A_172] : memref<400x128xf32, #tpu.memory_space<vmem>> -> memref<80x128xf32, #tpu.memory_space<vmem>>
    %dma_start3A_174 = arith.constant 0 : i32
    %dma_start3A_175 = tpu.memref_slice %arg4[%add3A_170, %dma_start3A_174] : memref<320000x128xf32, #tpu.memory_space<hbm>> -> memref<80x128xf32, #tpu.memory_space<hbm>>
    %dma_start3A_176 = arith.constant 0 : i32
    %dma_start3A_177 = tpu.memref_slice %arg4[%add3A_170, %dma_start3A_176] : memref<320000x128xf32, #tpu.memory_space<hbm>> -> memref<80x128xf32, #tpu.memory_space<hbm>>
    %dma_start3A_178 = arith.constant 320 : i32
    %dma_start3A_179 = arith.constant 0 : i32
    %dma_start3A_180 = tpu.memref_slice %arg7[%dma_start3A_178, %dma_start3A_179] : memref<400x128xf32, #tpu.memory_space<vmem>> -> memref<80x128xf32, #tpu.memory_space<vmem>>
    tpu.enqueue_dma source(%dma_start3A_180 : memref<80x128xf32, #tpu.memory_space<vmem>>) target(%dma_start3A_177 : memref<80x128xf32, #tpu.memory_space<hbm>>) target_semaphore(%arg17 : memref<!tpu.dma_semaphore, #tpu.memory_space<semaphore_mem>>)
    %dma_wait3A_181 = arith.constant 0 : i32
    %dma_wait3A_182 = arith.constant 0 : i32
    %dma_wait3A_183 = tpu.memref_slice %arg7[%dma_wait3A_181, %dma_wait3A_182] : memref<400x128xf32, #tpu.memory_space<vmem>> -> memref<80x128xf32, #tpu.memory_space<vmem>>
    %dma_wait3A_184 = arith.constant 0 : i32
    %dma_wait3A_185 = tpu.memref_slice %arg4[%mul3A_2, %dma_wait3A_184] : memref<320000x128xf32, #tpu.memory_space<hbm>> -> memref<80x128xf32, #tpu.memory_space<hbm>>
    %dma_wait3A_186 = arith.constant 0 : i32
    %dma_wait3A_187 = tpu.memref_slice %arg4[%mul3A_2, %dma_wait3A_186] : memref<320000x128xf32, #tpu.memory_space<hbm>> -> memref<80x128xf32, #tpu.memory_space<hbm>>
    %dma_wait3A_188 = arith.constant 0 : i32
    %dma_wait3A_189 = arith.constant 0 : i32
    %dma_wait3A_190 = tpu.memref_slice %arg7[%dma_wait3A_188, %dma_wait3A_189] : memref<400x128xf32, #tpu.memory_space<vmem>> -> memref<80x128xf32, #tpu.memory_space<vmem>>
    tpu.wait_dma2 semaphore(%arg13 : memref<!tpu.dma_semaphore, #tpu.memory_space<semaphore_mem>>) src(%dma_wait3A_190 : memref<80x128xf32, #tpu.memory_space<vmem>>) dst(%dma_wait3A_187 : memref<80x128xf32, #tpu.memory_space<hbm>>)
    %dma_wait3A_191 = arith.constant 80 : i32
    %dma_wait3A_192 = arith.constant 0 : i32
    %dma_wait3A_193 = tpu.memref_slice %arg7[%dma_wait3A_191, %dma_wait3A_192] : memref<400x128xf32, #tpu.memory_space<vmem>> -> memref<80x128xf32, #tpu.memory_space<vmem>>
    %dma_wait3A_194 = arith.constant 0 : i32
    %dma_wait3A_195 = tpu.memref_slice %arg4[%mul3A_2, %dma_wait3A_194] : memref<320000x128xf32, #tpu.memory_space<hbm>> -> memref<80x128xf32, #tpu.memory_space<hbm>>
    %dma_wait3A_196 = arith.constant 0 : i32
    %dma_wait3A_197 = tpu.memref_slice %arg4[%mul3A_2, %dma_wait3A_196] : memref<320000x128xf32, #tpu.memory_space<hbm>> -> memref<80x128xf32, #tpu.memory_space<hbm>>
    %dma_wait3A_198 = arith.constant 80 : i32
    %dma_wait3A_199 = arith.constant 0 : i32
    %dma_wait3A_200 = tpu.memref_slice %arg7[%dma_wait3A_198, %dma_wait3A_199] : memref<400x128xf32, #tpu.memory_space<vmem>> -> memref<80x128xf32, #tpu.memory_space<vmem>>
    tpu.wait_dma2 semaphore(%arg14 : memref<!tpu.dma_semaphore, #tpu.memory_space<semaphore_mem>>) src(%dma_wait3A_200 : memref<80x128xf32, #tpu.memory_space<vmem>>) dst(%dma_wait3A_197 : memref<80x128xf32, #tpu.memory_space<hbm>>)
    %dma_wait3A_201 = arith.constant 160 : i32
    %dma_wait3A_202 = arith.constant 0 : i32
    %dma_wait3A_203 = tpu.memref_slice %arg7[%dma_wait3A_201, %dma_wait3A_202] : memref<400x128xf32, #tpu.memory_space<vmem>> -> memref<80x128xf32, #tpu.memory_space<vmem>>
    %dma_wait3A_204 = arith.constant 0 : i32
    %dma_wait3A_205 = tpu.memref_slice %arg4[%mul3A_2, %dma_wait3A_204] : memref<320000x128xf32, #tpu.memory_space<hbm>> -> memref<80x128xf32, #tpu.memory_space<hbm>>
    %dma_wait3A_206 = arith.constant 0 : i32
    %dma_wait3A_207 = tpu.memref_slice %arg4[%mul3A_2, %dma_wait3A_206] : memref<320000x128xf32, #tpu.memory_space<hbm>> -> memref<80x128xf32, #tpu.memory_space<hbm>>
    %dma_wait3A_208 = arith.constant 160 : i32
    %dma_wait3A_209 = arith.constant 0 : i32
    %dma_wait3A_210 = tpu.memref_slice %arg7[%dma_wait3A_208, %dma_wait3A_209] : memref<400x128xf32, #tpu.memory_space<vmem>> -> memref<80x128xf32, #tpu.memory_space<vmem>>
    tpu.wait_dma2 semaphore(%arg15 : memref<!tpu.dma_semaphore, #tpu.memory_space<semaphore_mem>>) src(%dma_wait3A_210 : memref<80x128xf32, #tpu.memory_space<vmem>>) dst(%dma_wait3A_207 : memref<80x128xf32, #tpu.memory_space<hbm>>)
    %dma_wait3A_211 = arith.constant 240 : i32
    %dma_wait3A_212 = arith.constant 0 : i32
    %dma_wait3A_213 = tpu.memref_slice %arg7[%dma_wait3A_211, %dma_wait3A_212] : memref<400x128xf32, #tpu.memory_space<vmem>> -> memref<80x128xf32, #tpu.memory_space<vmem>>
    %dma_wait3A_214 = arith.constant 0 : i32
    %dma_wait3A_215 = tpu.memref_slice %arg4[%mul3A_2, %dma_wait3A_214] : memref<320000x128xf32, #tpu.memory_space<hbm>> -> memref<80x128xf32, #tpu.memory_space<hbm>>
    %dma_wait3A_216 = arith.constant 0 : i32
    %dma_wait3A_217 = tpu.memref_slice %arg4[%mul3A_2, %dma_wait3A_216] : memref<320000x128xf32, #tpu.memory_space<hbm>> -> memref<80x128xf32, #tpu.memory_space<hbm>>
    %dma_wait3A_218 = arith.constant 240 : i32
    %dma_wait3A_219 = arith.constant 0 : i32
    %dma_wait3A_220 = tpu.memref_slice %arg7[%dma_wait3A_218, %dma_wait3A_219] : memref<400x128xf32, #tpu.memory_space<vmem>> -> memref<80x128xf32, #tpu.memory_space<vmem>>
    tpu.wait_dma2 semaphore(%arg16 : memref<!tpu.dma_semaphore, #tpu.memory_space<semaphore_mem>>) src(%dma_wait3A_220 : memref<80x128xf32, #tpu.memory_space<vmem>>) dst(%dma_wait3A_217 : memref<80x128xf32, #tpu.memory_space<hbm>>)
    %dma_wait3A_221 = arith.constant 320 : i32
    %dma_wait3A_222 = arith.constant 0 : i32
    %dma_wait3A_223 = tpu.memref_slice %arg7[%dma_wait3A_221, %dma_wait3A_222] : memref<400x128xf32, #tpu.memory_space<vmem>> -> memref<80x128xf32, #tpu.memory_space<vmem>>
    %dma_wait3A_224 = arith.constant 0 : i32
    %dma_wait3A_225 = tpu.memref_slice %arg4[%mul3A_2, %dma_wait3A_224] : memref<320000x128xf32, #tpu.memory_space<hbm>> -> memref<80x128xf32, #tpu.memory_space<hbm>>
    %dma_wait3A_226 = arith.constant 0 : i32
    %dma_wait3A_227 = tpu.memref_slice %arg4[%mul3A_2, %dma_wait3A_226] : memref<320000x128xf32, #tpu.memory_space<hbm>> -> memref<80x128xf32, #tpu.memory_space<hbm>>
    %dma_wait3A_228 = arith.constant 320 : i32
    %dma_wait3A_229 = arith.constant 0 : i32
    %dma_wait3A_230 = tpu.memref_slice %arg7[%dma_wait3A_228, %dma_wait3A_229] : memref<400x128xf32, #tpu.memory_space<vmem>> -> memref<80x128xf32, #tpu.memory_space<vmem>>
    tpu.wait_dma2 semaphore(%arg17 : memref<!tpu.dma_semaphore, #tpu.memory_space<semaphore_mem>>) src(%dma_wait3A_230 : memref<80x128xf32, #tpu.memory_space<vmem>>) dst(%dma_wait3A_227 : memref<80x128xf32, #tpu.memory_space<hbm>>)
    return
  }
}

module attributes {stable_mosaic.version = 14 : i64} {
  func.func @body(%arg0: memref<3x320000xi32, #tpu.memory_space<vmem>>, %arg1: memref<6x128xf32, #tpu.memory_space<vmem>>, %arg2: memref<7x128xf32, #tpu.memory_space<vmem>>, %arg3: memref<3x128xf32, #tpu.memory_space<vmem>>, %arg4: memref<512x128xf32, #tpu.memory_space<vmem>>, %arg5: memref<320000xi32, #tpu.memory_space<vmem>>) attributes {dimension_semantics = [], scalar_prefetch = 0 : i64, scratch_operands = 0 : i64, tpu.core_type = #tpu.core_type<tc>} {
    %iota3A = tpu.iota {dimensions = array<i32: 0>} : vector<128x1xi32>
    %jit3A = arith.constant 21 : i32
    %div3A = vector.broadcast %jit3A : i32 to vector<128x1xi32>
    %div3A_0 = arith.divsi %iota3A, %div3A : vector<128x1xi32>
    %sign3A = arith.constant 0 : i32
    %sign3A_1 = vector.broadcast %sign3A : i32 to vector<128x1xi32>
    %sign3A_2 = arith.cmpi sgt, %iota3A, %sign3A_1 : vector<128x1xi32>
    %sign3A_3 = arith.extui %sign3A_2 : vector<128x1xi1> to vector<128x1xi32>
    %sign3A_4 = arith.constant 0 : i32
    %sign3A_5 = vector.broadcast %sign3A_4 : i32 to vector<128x1xi32>
    %sign3A_6 = arith.cmpi slt, %iota3A, %sign3A_5 : vector<128x1xi32>
    %sign3A_7 = arith.extui %sign3A_6 : vector<128x1xi1> to vector<128x1xi32>
    %sign3A_8 = arith.subi %sign3A_3, %sign3A_7 : vector<128x1xi32>
    %sign3A_9 = arith.constant 0 : i32
    %sign3A_10 = arith.cmpi sgt, %jit3A, %sign3A_9 : i32
    %sign3A_11 = arith.extui %sign3A_10 : i1 to i32
    %sign3A_12 = arith.constant 0 : i32
    %sign3A_13 = arith.cmpi slt, %jit3A, %sign3A_12 : i32
    %sign3A_14 = arith.extui %sign3A_13 : i1 to i32
    %sign3A_15 = arith.subi %sign3A_11, %sign3A_14 : i32
    %ne3A = vector.broadcast %sign3A_15 : i32 to vector<128x1xi32>
    %ne3A_16 = arith.cmpi ne, %sign3A_8, %ne3A : vector<128x1xi32>
    %rem3A = vector.broadcast %jit3A : i32 to vector<128x1xi32>
    %rem3A_17 = arith.remsi %iota3A, %rem3A : vector<128x1xi32>
    %ne3A_18 = arith.constant 0 : i32
    %ne3A_19 = vector.broadcast %ne3A_18 : i32 to vector<128x1xi32>
    %ne3A_20 = arith.cmpi ne, %rem3A_17, %ne3A_19 : vector<128x1xi32>
    %and3A = arith.andi %ne3A_16, %ne3A_20 : vector<128x1xi1>
    %sub3A = arith.constant 1 : i32
    %sub3A_21 = vector.broadcast %sub3A : i32 to vector<128x1xi32>
    %sub3A_22 = arith.subi %div3A_0, %sub3A_21 : vector<128x1xi32>
    %select_n3A = arith.select %and3A, %sub3A_22, %div3A_0 : vector<128x1xi1>, vector<128x1xi32>
    %broadcast_in_dim3A = arith.constant 0.000000e+00 : f32
    %broadcast_in_dim3A_23 = vector.broadcast %broadcast_in_dim3A : f32 to vector<128x128xf32>
    %eq3A = arith.constant 0 : i32
    %eq3A_24 = vector.broadcast %eq3A : i32 to vector<128x1xi32>
    %eq3A_25 = arith.cmpi eq, %select_n3A, %eq3A_24 : vector<128x1xi32>
    %get3A = arith.constant 0 : index
    %get3A_26 = arith.constant 0 : index
    %get3A_27 = vector.load %arg1[%get3A, %get3A_26] : memref<6x128xf32, #tpu.memory_space<vmem>>, vector<1x128xf32>
    %get3A_28 = vector.shape_cast %get3A_27 : vector<1x128xf32> to vector<128xf32>
    %broadcast_in_dim3A_29 = vector.shape_cast %get3A_28 : vector<128xf32> to vector<1x128xf32>
    %broadcast_in_dim3A_30 = vector.shape_cast %eq3A_25 : vector<128x1xi1> to vector<128x1xi1>
    %broadcast_in_dim3A_31 = vector.broadcast %broadcast_in_dim3A_30 : vector<128x1xi1> to vector<128x128xi1>
    %broadcast_in_dim3A_32 = vector.shape_cast %broadcast_in_dim3A_29 : vector<1x128xf32> to vector<1x128xf32>
    %broadcast_in_dim3A_33 = vector.broadcast %broadcast_in_dim3A_32 : vector<1x128xf32> to vector<128x128xf32>
    %select_n3A_34 = arith.select %broadcast_in_dim3A_31, %broadcast_in_dim3A_33, %broadcast_in_dim3A_23 : vector<128x128xi1>, vector<128x128xf32>
    %eq3A_35 = arith.constant 1 : i32
    %eq3A_36 = vector.broadcast %eq3A_35 : i32 to vector<128x1xi32>
    %eq3A_37 = arith.cmpi eq, %select_n3A, %eq3A_36 : vector<128x1xi32>
    %get3A_38 = arith.constant 1 : index
    %get3A_39 = arith.constant 0 : index
    %get3A_40 = vector.load %arg1[%get3A_38, %get3A_39] : memref<6x128xf32, #tpu.memory_space<vmem>>, vector<1x128xf32>
    %get3A_41 = vector.shape_cast %get3A_40 : vector<1x128xf32> to vector<128xf32>
    %broadcast_in_dim3A_42 = vector.shape_cast %get3A_41 : vector<128xf32> to vector<1x128xf32>
    %broadcast_in_dim3A_43 = vector.shape_cast %eq3A_37 : vector<128x1xi1> to vector<128x1xi1>
    %broadcast_in_dim3A_44 = vector.broadcast %broadcast_in_dim3A_43 : vector<128x1xi1> to vector<128x128xi1>
    %broadcast_in_dim3A_45 = vector.shape_cast %broadcast_in_dim3A_42 : vector<1x128xf32> to vector<1x128xf32>
    %broadcast_in_dim3A_46 = vector.broadcast %broadcast_in_dim3A_45 : vector<1x128xf32> to vector<128x128xf32>
    %select_n3A_47 = arith.select %broadcast_in_dim3A_44, %broadcast_in_dim3A_46, %select_n3A_34 : vector<128x128xi1>, vector<128x128xf32>
    %eq3A_48 = arith.constant 2 : i32
    %eq3A_49 = vector.broadcast %eq3A_48 : i32 to vector<128x1xi32>
    %eq3A_50 = arith.cmpi eq, %select_n3A, %eq3A_49 : vector<128x1xi32>
    %get3A_51 = arith.constant 2 : index
    %get3A_52 = arith.constant 0 : index
    %get3A_53 = vector.load %arg1[%get3A_51, %get3A_52] : memref<6x128xf32, #tpu.memory_space<vmem>>, vector<1x128xf32>
    %get3A_54 = vector.shape_cast %get3A_53 : vector<1x128xf32> to vector<128xf32>
    %broadcast_in_dim3A_55 = vector.shape_cast %get3A_54 : vector<128xf32> to vector<1x128xf32>
    %broadcast_in_dim3A_56 = vector.shape_cast %eq3A_50 : vector<128x1xi1> to vector<128x1xi1>
    %broadcast_in_dim3A_57 = vector.broadcast %broadcast_in_dim3A_56 : vector<128x1xi1> to vector<128x128xi1>
    %broadcast_in_dim3A_58 = vector.shape_cast %broadcast_in_dim3A_55 : vector<1x128xf32> to vector<1x128xf32>
    %broadcast_in_dim3A_59 = vector.broadcast %broadcast_in_dim3A_58 : vector<1x128xf32> to vector<128x128xf32>
    %select_n3A_60 = arith.select %broadcast_in_dim3A_57, %broadcast_in_dim3A_59, %select_n3A_47 : vector<128x128xi1>, vector<128x128xf32>
    %eq3A_61 = arith.constant 3 : i32
    %eq3A_62 = vector.broadcast %eq3A_61 : i32 to vector<128x1xi32>
    %eq3A_63 = arith.cmpi eq, %select_n3A, %eq3A_62 : vector<128x1xi32>
    %get3A_64 = arith.constant 3 : index
    %get3A_65 = arith.constant 0 : index
    %get3A_66 = vector.load %arg1[%get3A_64, %get3A_65] : memref<6x128xf32, #tpu.memory_space<vmem>>, vector<1x128xf32>
    %get3A_67 = vector.shape_cast %get3A_66 : vector<1x128xf32> to vector<128xf32>
    %broadcast_in_dim3A_68 = vector.shape_cast %get3A_67 : vector<128xf32> to vector<1x128xf32>
    %broadcast_in_dim3A_69 = vector.shape_cast %eq3A_63 : vector<128x1xi1> to vector<128x1xi1>
    %broadcast_in_dim3A_70 = vector.broadcast %broadcast_in_dim3A_69 : vector<128x1xi1> to vector<128x128xi1>
    %broadcast_in_dim3A_71 = vector.shape_cast %broadcast_in_dim3A_68 : vector<1x128xf32> to vector<1x128xf32>
    %broadcast_in_dim3A_72 = vector.broadcast %broadcast_in_dim3A_71 : vector<1x128xf32> to vector<128x128xf32>
    %select_n3A_73 = arith.select %broadcast_in_dim3A_70, %broadcast_in_dim3A_72, %select_n3A_60 : vector<128x128xi1>, vector<128x128xf32>
    %eq3A_74 = arith.constant 4 : i32
    %eq3A_75 = vector.broadcast %eq3A_74 : i32 to vector<128x1xi32>
    %eq3A_76 = arith.cmpi eq, %select_n3A, %eq3A_75 : vector<128x1xi32>
    %get3A_77 = arith.constant 4 : index
    %get3A_78 = arith.constant 0 : index
    %get3A_79 = vector.load %arg1[%get3A_77, %get3A_78] : memref<6x128xf32, #tpu.memory_space<vmem>>, vector<1x128xf32>
    %get3A_80 = vector.shape_cast %get3A_79 : vector<1x128xf32> to vector<128xf32>
    %broadcast_in_dim3A_81 = vector.shape_cast %get3A_80 : vector<128xf32> to vector<1x128xf32>
    %broadcast_in_dim3A_82 = vector.shape_cast %eq3A_76 : vector<128x1xi1> to vector<128x1xi1>
    %broadcast_in_dim3A_83 = vector.broadcast %broadcast_in_dim3A_82 : vector<128x1xi1> to vector<128x128xi1>
    %broadcast_in_dim3A_84 = vector.shape_cast %broadcast_in_dim3A_81 : vector<1x128xf32> to vector<1x128xf32>
    %broadcast_in_dim3A_85 = vector.broadcast %broadcast_in_dim3A_84 : vector<1x128xf32> to vector<128x128xf32>
    %select_n3A_86 = arith.select %broadcast_in_dim3A_83, %broadcast_in_dim3A_85, %select_n3A_73 : vector<128x128xi1>, vector<128x128xf32>
    %eq3A_87 = arith.constant 5 : i32
    %eq3A_88 = vector.broadcast %eq3A_87 : i32 to vector<128x1xi32>
    %eq3A_89 = arith.cmpi eq, %select_n3A, %eq3A_88 : vector<128x1xi32>
    %get3A_90 = arith.constant 5 : index
    %get3A_91 = arith.constant 0 : index
    %get3A_92 = vector.load %arg1[%get3A_90, %get3A_91] : memref<6x128xf32, #tpu.memory_space<vmem>>, vector<1x128xf32>
    %get3A_93 = vector.shape_cast %get3A_92 : vector<1x128xf32> to vector<128xf32>
    %broadcast_in_dim3A_94 = vector.shape_cast %get3A_93 : vector<128xf32> to vector<1x128xf32>
    %broadcast_in_dim3A_95 = vector.shape_cast %eq3A_89 : vector<128x1xi1> to vector<128x1xi1>
    %broadcast_in_dim3A_96 = vector.broadcast %broadcast_in_dim3A_95 : vector<128x1xi1> to vector<128x128xi1>
    %broadcast_in_dim3A_97 = vector.shape_cast %broadcast_in_dim3A_94 : vector<1x128xf32> to vector<1x128xf32>
    %broadcast_in_dim3A_98 = vector.broadcast %broadcast_in_dim3A_97 : vector<1x128xf32> to vector<128x128xf32>
    %select_n3A_99 = arith.select %broadcast_in_dim3A_96, %broadcast_in_dim3A_98, %select_n3A_86 : vector<128x128xi1>, vector<128x128xf32>
    %jit3A_100 = arith.constant 3 : i32
    %div3A_101 = vector.broadcast %jit3A_100 : i32 to vector<128x1xi32>
    %div3A_102 = arith.divsi %iota3A, %div3A_101 : vector<128x1xi32>
    %sign3A_103 = arith.constant 0 : i32
    %sign3A_104 = vector.broadcast %sign3A_103 : i32 to vector<128x1xi32>
    %sign3A_105 = arith.cmpi sgt, %iota3A, %sign3A_104 : vector<128x1xi32>
    %sign3A_106 = arith.extui %sign3A_105 : vector<128x1xi1> to vector<128x1xi32>
    %sign3A_107 = arith.constant 0 : i32
    %sign3A_108 = vector.broadcast %sign3A_107 : i32 to vector<128x1xi32>
    %sign3A_109 = arith.cmpi slt, %iota3A, %sign3A_108 : vector<128x1xi32>
    %sign3A_110 = arith.extui %sign3A_109 : vector<128x1xi1> to vector<128x1xi32>
    %sign3A_111 = arith.subi %sign3A_106, %sign3A_110 : vector<128x1xi32>
    %sign3A_112 = arith.constant 0 : i32
    %sign3A_113 = arith.cmpi sgt, %jit3A_100, %sign3A_112 : i32
    %sign3A_114 = arith.extui %sign3A_113 : i1 to i32
    %sign3A_115 = arith.constant 0 : i32
    %sign3A_116 = arith.cmpi slt, %jit3A_100, %sign3A_115 : i32
    %sign3A_117 = arith.extui %sign3A_116 : i1 to i32
    %sign3A_118 = arith.subi %sign3A_114, %sign3A_117 : i32
    %ne3A_119 = vector.broadcast %sign3A_118 : i32 to vector<128x1xi32>
    %ne3A_120 = arith.cmpi ne, %sign3A_111, %ne3A_119 : vector<128x1xi32>
    %rem3A_121 = vector.broadcast %jit3A_100 : i32 to vector<128x1xi32>
    %rem3A_122 = arith.remsi %iota3A, %rem3A_121 : vector<128x1xi32>
    %ne3A_123 = arith.constant 0 : i32
    %ne3A_124 = vector.broadcast %ne3A_123 : i32 to vector<128x1xi32>
    %ne3A_125 = arith.cmpi ne, %rem3A_122, %ne3A_124 : vector<128x1xi32>
    %and3A_126 = arith.andi %ne3A_120, %ne3A_125 : vector<128x1xi1>
    %sub3A_127 = arith.constant 1 : i32
    %sub3A_128 = vector.broadcast %sub3A_127 : i32 to vector<128x1xi32>
    %sub3A_129 = arith.subi %div3A_102, %sub3A_128 : vector<128x1xi32>
    %select_n3A_130 = arith.select %and3A_126, %sub3A_129, %div3A_102 : vector<128x1xi1>, vector<128x1xi32>
    %jit3A_131 = arith.constant 7 : i32
    %eq3A_132 = arith.constant 0 : i32
    %eq3A_133 = arith.cmpi eq, %jit3A_131, %eq3A_132 : i32
    %jit3A_134 = arith.constant 1 : i32
    %select_n3A_135 = arith.select %eq3A_133, %jit3A_134, %jit3A_131 : i32
    %rem3A_136 = vector.broadcast %select_n3A_135 : i32 to vector<128x1xi32>
    %rem3A_137 = arith.remsi %select_n3A_130, %rem3A_136 : vector<128x1xi32>
    %ne3A_138 = arith.constant 0 : i32
    %ne3A_139 = vector.broadcast %ne3A_138 : i32 to vector<128x1xi32>
    %ne3A_140 = arith.cmpi ne, %rem3A_137, %ne3A_139 : vector<128x1xi32>
    %lt3A = arith.constant 0 : i32
    %lt3A_141 = vector.broadcast %lt3A : i32 to vector<128x1xi32>
    %lt3A_142 = arith.cmpi slt, %rem3A_137, %lt3A_141 : vector<128x1xi32>
    %lt3A_143 = arith.constant 0 : i32
    %lt3A_144 = arith.cmpi slt, %select_n3A_135, %lt3A_143 : i32
    %ne3A_145 = vector.broadcast %lt3A_144 : i1 to vector<128x1xi1>
    %ne3A_146 = vector.broadcast %ne3A_145 : vector<128x1xi1> to vector<128x1xi1>
    %ne3A_147 = arith.xori %lt3A_142, %ne3A_146 : vector<128x1xi1>
    %and3A_148 = arith.andi %ne3A_147, %ne3A_140 : vector<128x1xi1>
    %add3A = vector.broadcast %select_n3A_135 : i32 to vector<128x1xi32>
    %add3A_149 = arith.addi %rem3A_137, %add3A : vector<128x1xi32>
    %select_n3A_150 = arith.select %and3A_148, %add3A_149, %rem3A_137 : vector<128x1xi1>, vector<128x1xi32>
    %broadcast_in_dim3A_151 = arith.constant 0.000000e+00 : f32
    %broadcast_in_dim3A_152 = vector.broadcast %broadcast_in_dim3A_151 : f32 to vector<128x128xf32>
    %eq3A_153 = arith.constant 0 : i32
    %eq3A_154 = vector.broadcast %eq3A_153 : i32 to vector<128x1xi32>
    %eq3A_155 = arith.cmpi eq, %select_n3A_150, %eq3A_154 : vector<128x1xi32>
    %get3A_156 = arith.constant 0 : index
    %get3A_157 = arith.constant 0 : index
    %get3A_158 = vector.load %arg2[%get3A_156, %get3A_157] : memref<7x128xf32, #tpu.memory_space<vmem>>, vector<1x128xf32>
    %get3A_159 = vector.shape_cast %get3A_158 : vector<1x128xf32> to vector<128xf32>
    %broadcast_in_dim3A_160 = vector.shape_cast %get3A_159 : vector<128xf32> to vector<1x128xf32>
    %broadcast_in_dim3A_161 = vector.shape_cast %eq3A_155 : vector<128x1xi1> to vector<128x1xi1>
    %broadcast_in_dim3A_162 = vector.broadcast %broadcast_in_dim3A_161 : vector<128x1xi1> to vector<128x128xi1>
    %broadcast_in_dim3A_163 = vector.shape_cast %broadcast_in_dim3A_160 : vector<1x128xf32> to vector<1x128xf32>
    %broadcast_in_dim3A_164 = vector.broadcast %broadcast_in_dim3A_163 : vector<1x128xf32> to vector<128x128xf32>
    %select_n3A_165 = arith.select %broadcast_in_dim3A_162, %broadcast_in_dim3A_164, %broadcast_in_dim3A_152 : vector<128x128xi1>, vector<128x128xf32>
    %eq3A_166 = arith.constant 1 : i32
    %eq3A_167 = vector.broadcast %eq3A_166 : i32 to vector<128x1xi32>
    %eq3A_168 = arith.cmpi eq, %select_n3A_150, %eq3A_167 : vector<128x1xi32>
    %get3A_169 = arith.constant 1 : index
    %get3A_170 = arith.constant 0 : index
    %get3A_171 = vector.load %arg2[%get3A_169, %get3A_170] : memref<7x128xf32, #tpu.memory_space<vmem>>, vector<1x128xf32>
    %get3A_172 = vector.shape_cast %get3A_171 : vector<1x128xf32> to vector<128xf32>
    %broadcast_in_dim3A_173 = vector.shape_cast %get3A_172 : vector<128xf32> to vector<1x128xf32>
    %broadcast_in_dim3A_174 = vector.shape_cast %eq3A_168 : vector<128x1xi1> to vector<128x1xi1>
    %broadcast_in_dim3A_175 = vector.broadcast %broadcast_in_dim3A_174 : vector<128x1xi1> to vector<128x128xi1>
    %broadcast_in_dim3A_176 = vector.shape_cast %broadcast_in_dim3A_173 : vector<1x128xf32> to vector<1x128xf32>
    %broadcast_in_dim3A_177 = vector.broadcast %broadcast_in_dim3A_176 : vector<1x128xf32> to vector<128x128xf32>
    %select_n3A_178 = arith.select %broadcast_in_dim3A_175, %broadcast_in_dim3A_177, %select_n3A_165 : vector<128x128xi1>, vector<128x128xf32>
    %eq3A_179 = arith.constant 2 : i32
    %eq3A_180 = vector.broadcast %eq3A_179 : i32 to vector<128x1xi32>
    %eq3A_181 = arith.cmpi eq, %select_n3A_150, %eq3A_180 : vector<128x1xi32>
    %get3A_182 = arith.constant 2 : index
    %get3A_183 = arith.constant 0 : index
    %get3A_184 = vector.load %arg2[%get3A_182, %get3A_183] : memref<7x128xf32, #tpu.memory_space<vmem>>, vector<1x128xf32>
    %get3A_185 = vector.shape_cast %get3A_184 : vector<1x128xf32> to vector<128xf32>
    %broadcast_in_dim3A_186 = vector.shape_cast %get3A_185 : vector<128xf32> to vector<1x128xf32>
    %broadcast_in_dim3A_187 = vector.shape_cast %eq3A_181 : vector<128x1xi1> to vector<128x1xi1>
    %broadcast_in_dim3A_188 = vector.broadcast %broadcast_in_dim3A_187 : vector<128x1xi1> to vector<128x128xi1>
    %broadcast_in_dim3A_189 = vector.shape_cast %broadcast_in_dim3A_186 : vector<1x128xf32> to vector<1x128xf32>
    %broadcast_in_dim3A_190 = vector.broadcast %broadcast_in_dim3A_189 : vector<1x128xf32> to vector<128x128xf32>
    %select_n3A_191 = arith.select %broadcast_in_dim3A_188, %broadcast_in_dim3A_190, %select_n3A_178 : vector<128x128xi1>, vector<128x128xf32>
    %eq3A_192 = arith.constant 3 : i32
    %eq3A_193 = vector.broadcast %eq3A_192 : i32 to vector<128x1xi32>
    %eq3A_194 = arith.cmpi eq, %select_n3A_150, %eq3A_193 : vector<128x1xi32>
    %get3A_195 = arith.constant 3 : index
    %get3A_196 = arith.constant 0 : index
    %get3A_197 = vector.load %arg2[%get3A_195, %get3A_196] : memref<7x128xf32, #tpu.memory_space<vmem>>, vector<1x128xf32>
    %get3A_198 = vector.shape_cast %get3A_197 : vector<1x128xf32> to vector<128xf32>
    %broadcast_in_dim3A_199 = vector.shape_cast %get3A_198 : vector<128xf32> to vector<1x128xf32>
    %broadcast_in_dim3A_200 = vector.shape_cast %eq3A_194 : vector<128x1xi1> to vector<128x1xi1>
    %broadcast_in_dim3A_201 = vector.broadcast %broadcast_in_dim3A_200 : vector<128x1xi1> to vector<128x128xi1>
    %broadcast_in_dim3A_202 = vector.shape_cast %broadcast_in_dim3A_199 : vector<1x128xf32> to vector<1x128xf32>
    %broadcast_in_dim3A_203 = vector.broadcast %broadcast_in_dim3A_202 : vector<1x128xf32> to vector<128x128xf32>
    %select_n3A_204 = arith.select %broadcast_in_dim3A_201, %broadcast_in_dim3A_203, %select_n3A_191 : vector<128x128xi1>, vector<128x128xf32>
    %eq3A_205 = arith.constant 4 : i32
    %eq3A_206 = vector.broadcast %eq3A_205 : i32 to vector<128x1xi32>
    %eq3A_207 = arith.cmpi eq, %select_n3A_150, %eq3A_206 : vector<128x1xi32>
    %get3A_208 = arith.constant 4 : index
    %get3A_209 = arith.constant 0 : index
    %get3A_210 = vector.load %arg2[%get3A_208, %get3A_209] : memref<7x128xf32, #tpu.memory_space<vmem>>, vector<1x128xf32>
    %get3A_211 = vector.shape_cast %get3A_210 : vector<1x128xf32> to vector<128xf32>
    %broadcast_in_dim3A_212 = vector.shape_cast %get3A_211 : vector<128xf32> to vector<1x128xf32>
    %broadcast_in_dim3A_213 = vector.shape_cast %eq3A_207 : vector<128x1xi1> to vector<128x1xi1>
    %broadcast_in_dim3A_214 = vector.broadcast %broadcast_in_dim3A_213 : vector<128x1xi1> to vector<128x128xi1>
    %broadcast_in_dim3A_215 = vector.shape_cast %broadcast_in_dim3A_212 : vector<1x128xf32> to vector<1x128xf32>
    %broadcast_in_dim3A_216 = vector.broadcast %broadcast_in_dim3A_215 : vector<1x128xf32> to vector<128x128xf32>
    %select_n3A_217 = arith.select %broadcast_in_dim3A_214, %broadcast_in_dim3A_216, %select_n3A_204 : vector<128x128xi1>, vector<128x128xf32>
    %eq3A_218 = arith.constant 5 : i32
    %eq3A_219 = vector.broadcast %eq3A_218 : i32 to vector<128x1xi32>
    %eq3A_220 = arith.cmpi eq, %select_n3A_150, %eq3A_219 : vector<128x1xi32>
    %get3A_221 = arith.constant 5 : index
    %get3A_222 = arith.constant 0 : index
    %get3A_223 = vector.load %arg2[%get3A_221, %get3A_222] : memref<7x128xf32, #tpu.memory_space<vmem>>, vector<1x128xf32>
    %get3A_224 = vector.shape_cast %get3A_223 : vector<1x128xf32> to vector<128xf32>
    %broadcast_in_dim3A_225 = vector.shape_cast %get3A_224 : vector<128xf32> to vector<1x128xf32>
    %broadcast_in_dim3A_226 = vector.shape_cast %eq3A_220 : vector<128x1xi1> to vector<128x1xi1>
    %broadcast_in_dim3A_227 = vector.broadcast %broadcast_in_dim3A_226 : vector<128x1xi1> to vector<128x128xi1>
    %broadcast_in_dim3A_228 = vector.shape_cast %broadcast_in_dim3A_225 : vector<1x128xf32> to vector<1x128xf32>
    %broadcast_in_dim3A_229 = vector.broadcast %broadcast_in_dim3A_228 : vector<1x128xf32> to vector<128x128xf32>
    %select_n3A_230 = arith.select %broadcast_in_dim3A_227, %broadcast_in_dim3A_229, %select_n3A_217 : vector<128x128xi1>, vector<128x128xf32>
    %eq3A_231 = arith.constant 6 : i32
    %eq3A_232 = vector.broadcast %eq3A_231 : i32 to vector<128x1xi32>
    %eq3A_233 = arith.cmpi eq, %select_n3A_150, %eq3A_232 : vector<128x1xi32>
    %get3A_234 = arith.constant 6 : index
    %get3A_235 = arith.constant 0 : index
    %get3A_236 = vector.load %arg2[%get3A_234, %get3A_235] : memref<7x128xf32, #tpu.memory_space<vmem>>, vector<1x128xf32>
    %get3A_237 = vector.shape_cast %get3A_236 : vector<1x128xf32> to vector<128xf32>
    %broadcast_in_dim3A_238 = vector.shape_cast %get3A_237 : vector<128xf32> to vector<1x128xf32>
    %broadcast_in_dim3A_239 = vector.shape_cast %eq3A_233 : vector<128x1xi1> to vector<128x1xi1>
    %broadcast_in_dim3A_240 = vector.broadcast %broadcast_in_dim3A_239 : vector<128x1xi1> to vector<128x128xi1>
    %broadcast_in_dim3A_241 = vector.shape_cast %broadcast_in_dim3A_238 : vector<1x128xf32> to vector<1x128xf32>
    %broadcast_in_dim3A_242 = vector.broadcast %broadcast_in_dim3A_241 : vector<1x128xf32> to vector<128x128xf32>
    %select_n3A_243 = arith.select %broadcast_in_dim3A_240, %broadcast_in_dim3A_242, %select_n3A_230 : vector<128x128xi1>, vector<128x128xf32>
    %add3A_244 = arith.addf %select_n3A_99, %select_n3A_243 : vector<128x128xf32>
    %jit3A_245 = arith.constant 3 : i32
    %eq3A_246 = arith.constant 0 : i32
    %eq3A_247 = arith.cmpi eq, %jit3A_245, %eq3A_246 : i32
    %jit3A_248 = arith.constant 1 : i32
    %select_n3A_249 = arith.select %eq3A_247, %jit3A_248, %jit3A_245 : i32
    %rem3A_250 = vector.broadcast %select_n3A_249 : i32 to vector<128x1xi32>
    %rem3A_251 = arith.remsi %iota3A, %rem3A_250 : vector<128x1xi32>
    %ne3A_252 = arith.constant 0 : i32
    %ne3A_253 = vector.broadcast %ne3A_252 : i32 to vector<128x1xi32>
    %ne3A_254 = arith.cmpi ne, %rem3A_251, %ne3A_253 : vector<128x1xi32>
    %lt3A_255 = arith.constant 0 : i32
    %lt3A_256 = vector.broadcast %lt3A_255 : i32 to vector<128x1xi32>
    %lt3A_257 = arith.cmpi slt, %rem3A_251, %lt3A_256 : vector<128x1xi32>
    %lt3A_258 = arith.constant 0 : i32
    %lt3A_259 = arith.cmpi slt, %select_n3A_249, %lt3A_258 : i32
    %ne3A_260 = vector.broadcast %lt3A_259 : i1 to vector<128x1xi1>
    %ne3A_261 = vector.broadcast %ne3A_260 : vector<128x1xi1> to vector<128x1xi1>
    %ne3A_262 = arith.xori %lt3A_257, %ne3A_261 : vector<128x1xi1>
    %and3A_263 = arith.andi %ne3A_262, %ne3A_254 : vector<128x1xi1>
    %add3A_264 = vector.broadcast %select_n3A_249 : i32 to vector<128x1xi32>
    %add3A_265 = arith.addi %rem3A_251, %add3A_264 : vector<128x1xi32>
    %select_n3A_266 = arith.select %and3A_263, %add3A_265, %rem3A_251 : vector<128x1xi1>, vector<128x1xi32>
    %broadcast_in_dim3A_267 = arith.constant 0.000000e+00 : f32
    %broadcast_in_dim3A_268 = vector.broadcast %broadcast_in_dim3A_267 : f32 to vector<128x128xf32>
    %eq3A_269 = arith.constant 0 : i32
    %eq3A_270 = vector.broadcast %eq3A_269 : i32 to vector<128x1xi32>
    %eq3A_271 = arith.cmpi eq, %select_n3A_266, %eq3A_270 : vector<128x1xi32>
    %get3A_272 = arith.constant 0 : index
    %get3A_273 = arith.constant 0 : index
    %get3A_274 = vector.load %arg3[%get3A_272, %get3A_273] : memref<3x128xf32, #tpu.memory_space<vmem>>, vector<1x128xf32>
    %get3A_275 = vector.shape_cast %get3A_274 : vector<1x128xf32> to vector<128xf32>
    %broadcast_in_dim3A_276 = vector.shape_cast %get3A_275 : vector<128xf32> to vector<1x128xf32>
    %broadcast_in_dim3A_277 = vector.shape_cast %eq3A_271 : vector<128x1xi1> to vector<128x1xi1>
    %broadcast_in_dim3A_278 = vector.broadcast %broadcast_in_dim3A_277 : vector<128x1xi1> to vector<128x128xi1>
    %broadcast_in_dim3A_279 = vector.shape_cast %broadcast_in_dim3A_276 : vector<1x128xf32> to vector<1x128xf32>
    %broadcast_in_dim3A_280 = vector.broadcast %broadcast_in_dim3A_279 : vector<1x128xf32> to vector<128x128xf32>
    %select_n3A_281 = arith.select %broadcast_in_dim3A_278, %broadcast_in_dim3A_280, %broadcast_in_dim3A_268 : vector<128x128xi1>, vector<128x128xf32>
    %eq3A_282 = arith.constant 1 : i32
    %eq3A_283 = vector.broadcast %eq3A_282 : i32 to vector<128x1xi32>
    %eq3A_284 = arith.cmpi eq, %select_n3A_266, %eq3A_283 : vector<128x1xi32>
    %get3A_285 = arith.constant 1 : index
    %get3A_286 = arith.constant 0 : index
    %get3A_287 = vector.load %arg3[%get3A_285, %get3A_286] : memref<3x128xf32, #tpu.memory_space<vmem>>, vector<1x128xf32>
    %get3A_288 = vector.shape_cast %get3A_287 : vector<1x128xf32> to vector<128xf32>
    %broadcast_in_dim3A_289 = vector.shape_cast %get3A_288 : vector<128xf32> to vector<1x128xf32>
    %broadcast_in_dim3A_290 = vector.shape_cast %eq3A_284 : vector<128x1xi1> to vector<128x1xi1>
    %broadcast_in_dim3A_291 = vector.broadcast %broadcast_in_dim3A_290 : vector<128x1xi1> to vector<128x128xi1>
    %broadcast_in_dim3A_292 = vector.shape_cast %broadcast_in_dim3A_289 : vector<1x128xf32> to vector<1x128xf32>
    %broadcast_in_dim3A_293 = vector.broadcast %broadcast_in_dim3A_292 : vector<1x128xf32> to vector<128x128xf32>
    %select_n3A_294 = arith.select %broadcast_in_dim3A_291, %broadcast_in_dim3A_293, %select_n3A_281 : vector<128x128xi1>, vector<128x128xf32>
    %eq3A_295 = arith.constant 2 : i32
    %eq3A_296 = vector.broadcast %eq3A_295 : i32 to vector<128x1xi32>
    %eq3A_297 = arith.cmpi eq, %select_n3A_266, %eq3A_296 : vector<128x1xi32>
    %get3A_298 = arith.constant 2 : index
    %get3A_299 = arith.constant 0 : index
    %get3A_300 = vector.load %arg3[%get3A_298, %get3A_299] : memref<3x128xf32, #tpu.memory_space<vmem>>, vector<1x128xf32>
    %get3A_301 = vector.shape_cast %get3A_300 : vector<1x128xf32> to vector<128xf32>
    %broadcast_in_dim3A_302 = vector.shape_cast %get3A_301 : vector<128xf32> to vector<1x128xf32>
    %broadcast_in_dim3A_303 = vector.shape_cast %eq3A_297 : vector<128x1xi1> to vector<128x1xi1>
    %broadcast_in_dim3A_304 = vector.broadcast %broadcast_in_dim3A_303 : vector<128x1xi1> to vector<128x128xi1>
    %broadcast_in_dim3A_305 = vector.shape_cast %broadcast_in_dim3A_302 : vector<1x128xf32> to vector<1x128xf32>
    %broadcast_in_dim3A_306 = vector.broadcast %broadcast_in_dim3A_305 : vector<1x128xf32> to vector<128x128xf32>
    %select_n3A_307 = arith.select %broadcast_in_dim3A_304, %broadcast_in_dim3A_306, %select_n3A_294 : vector<128x128xi1>, vector<128x128xf32>
    %add3A_308 = arith.addf %add3A_244, %select_n3A_307 : vector<128x128xf32>
    %swap3A = arith.constant 0 : index
    %swap3A_309 = arith.constant 0 : index
    %swap3A_310 = vector.load %arg4[%swap3A, %swap3A_309] : memref<512x128xf32, #tpu.memory_space<vmem>>, vector<128x128xf32>
    tpu.vector_store %arg4[%swap3A, %swap3A_309], %add3A_308 {strides = array<i32>} : memref<512x128xf32, #tpu.memory_space<vmem>>, vector<128x128xf32>,
    %swap3A_311 = arith.constant 128 : index
    %swap3A_312 = arith.constant 0 : index
    %swap3A_313 = vector.load %arg4[%swap3A_311, %swap3A_312] : memref<512x128xf32, #tpu.memory_space<vmem>>, vector<128x128xf32>
    tpu.vector_store %arg4[%swap3A_311, %swap3A_312], %add3A_308 {strides = array<i32>} : memref<512x128xf32, #tpu.memory_space<vmem>>, vector<128x128xf32>,
    %swap3A_314 = arith.constant 256 : index
    %swap3A_315 = arith.constant 0 : index
    %swap3A_316 = vector.load %arg4[%swap3A_314, %swap3A_315] : memref<512x128xf32, #tpu.memory_space<vmem>>, vector<128x128xf32>
    tpu.vector_store %arg4[%swap3A_314, %swap3A_315], %add3A_308 {strides = array<i32>} : memref<512x128xf32, #tpu.memory_space<vmem>>, vector<128x128xf32>,
    %swap3A_317 = arith.constant 384 : index
    %swap3A_318 = arith.constant 0 : index
    %swap3A_319 = vector.load %arg4[%swap3A_317, %swap3A_318] : memref<512x128xf32, #tpu.memory_space<vmem>>, vector<128x128xf32>
    tpu.vector_store %arg4[%swap3A_317, %swap3A_318], %add3A_308 {strides = array<i32>} : memref<512x128xf32, #tpu.memory_space<vmem>>, vector<128x128xf32>,
    %get3A_320 = arith.constant 0 : index
    %get3A_321 = arith.constant 0 : index
    %get3A_322 = vector.load %arg0[%get3A_320, %get3A_321] : memref<3x320000xi32, #tpu.memory_space<vmem>>, vector<1x320000xi32>
    %get3A_323 = vector.shape_cast %get3A_322 : vector<1x320000xi32> to vector<320000xi32>
    %get3A_324 = arith.constant 1 : index
    %get3A_325 = arith.constant 0 : index
    %get3A_326 = vector.load %arg0[%get3A_324, %get3A_325] : memref<3x320000xi32, #tpu.memory_space<vmem>>, vector<1x320000xi32>
    %get3A_327 = vector.shape_cast %get3A_326 : vector<1x320000xi32> to vector<320000xi32>
    %get3A_328 = arith.constant 2 : index
    %get3A_329 = arith.constant 0 : index
    %get3A_330 = vector.load %arg0[%get3A_328, %get3A_329] : memref<3x320000xi32, #tpu.memory_space<vmem>>, vector<1x320000xi32>
    %get3A_331 = vector.shape_cast %get3A_330 : vector<1x320000xi32> to vector<320000xi32>
    %iota3A_332 = tpu.iota {dimensions = array<i32: 1>} : vector<1x320000xi32>
    %iota3A_333 = vector.shape_cast %iota3A_332 : vector<1x320000xi32> to vector<320000xi32>
    %mul3A = arith.constant 21 : i32
    %mul3A_334 = vector.broadcast %mul3A : i32 to vector<320000xi32>
    %mul3A_335 = arith.muli %get3A_323, %mul3A_334 : vector<320000xi32>
    %mul3A_336 = arith.constant 3 : i32
    %mul3A_337 = vector.broadcast %mul3A_336 : i32 to vector<320000xi32>
    %mul3A_338 = arith.muli %get3A_327, %mul3A_337 : vector<320000xi32>
    %add3A_339 = arith.addi %mul3A_335, %mul3A_338 : vector<320000xi32>
    %add3A_340 = arith.addi %add3A_339, %get3A_331 : vector<320000xi32>
    %jit3A_341 = arith.constant 20000 : i32
    %div3A_342 = vector.broadcast %jit3A_341 : i32 to vector<320000xi32>
    %div3A_343 = arith.divsi %iota3A_333, %div3A_342 : vector<320000xi32>
    %sign3A_344 = arith.constant 0 : i32
    %sign3A_345 = vector.broadcast %sign3A_344 : i32 to vector<320000xi32>
    %sign3A_346 = arith.cmpi sgt, %iota3A_333, %sign3A_345 : vector<320000xi32>
    %sign3A_347 = arith.extui %sign3A_346 : vector<320000xi1> to vector<320000xi32>
    %sign3A_348 = arith.constant 0 : i32
    %sign3A_349 = vector.broadcast %sign3A_348 : i32 to vector<320000xi32>
    %sign3A_350 = arith.cmpi slt, %iota3A_333, %sign3A_349 : vector<320000xi32>
    %sign3A_351 = arith.extui %sign3A_350 : vector<320000xi1> to vector<320000xi32>
    %sign3A_352 = arith.subi %sign3A_347, %sign3A_351 : vector<320000xi32>
    %sign3A_353 = arith.constant 0 : i32
    %sign3A_354 = arith.cmpi sgt, %jit3A_341, %sign3A_353 : i32
    %sign3A_355 = arith.extui %sign3A_354 : i1 to i32
    %sign3A_356 = arith.constant 0 : i32
    %sign3A_357 = arith.cmpi slt, %jit3A_341, %sign3A_356 : i32
    %sign3A_358 = arith.extui %sign3A_357 : i1 to i32
    %sign3A_359 = arith.subi %sign3A_355, %sign3A_358 : i32
    %ne3A_360 = vector.broadcast %sign3A_359 : i32 to vector<320000xi32>
    %ne3A_361 = arith.cmpi ne, %sign3A_352, %ne3A_360 : vector<320000xi32>
    %rem3A_362 = vector.broadcast %jit3A_341 : i32 to vector<320000xi32>
    %rem3A_363 = arith.remsi %iota3A_333, %rem3A_362 : vector<320000xi32>
    %ne3A_364 = arith.constant 0 : i32
    %ne3A_365 = vector.broadcast %ne3A_364 : i32 to vector<320000xi32>
    %ne3A_366 = arith.cmpi ne, %rem3A_363, %ne3A_365 : vector<320000xi32>
    %and3A_367 = arith.andi %ne3A_361, %ne3A_366 : vector<320000xi1>
    %sub3A_368 = arith.constant 1 : i32
    %sub3A_369 = vector.broadcast %sub3A_368 : i32 to vector<320000xi32>
    %sub3A_370 = arith.subi %div3A_343, %sub3A_369 : vector<320000xi32>
    %select_n3A_371 = arith.select %and3A_367, %sub3A_370, %div3A_343 : vector<320000xi1>, vector<320000xi32>
    %mul3A_372 = arith.constant 128 : i32
    %mul3A_373 = vector.broadcast %mul3A_372 : i32 to vector<320000xi32>
    %mul3A_374 = arith.muli %select_n3A_371, %mul3A_373 : vector<320000xi32>
    %add3A_375 = arith.addi %add3A_340, %mul3A_374 : vector<320000xi32>
    %swap3A_376 = arith.constant 0 : index
    %swap3A_377 = vector.load %arg5[%swap3A_376] : memref<320000xi32, #tpu.memory_space<vmem>>, vector<320000xi32>
    tpu.vector_store %arg5[%swap3A_376], %add3A_375 {strides = array<i32>} : memref<320000xi32, #tpu.memory_space<vmem>>, vector<320000xi32>,
    return
  }
}

</mosaic_0001>

<sc_bundles>
// kernel: kernel.4.cloned.1.call-start
scs
__scs_entry_jumppad:
0x0: {  	(pc) =	sbr.rel $0x88, $3  }
0x1: {  	(tag) =	ssettag $0x0;
	lr =	simm.s32 $0x1  }
0x2: {  	[smem:$0x3F9D] =	sst lr;
	_ =	strace $0xD0000000  }
0x3: {  	_ = 	snop  }
0x4: {  	_ = 	snop  }
0x5: {  	_ = 	snop  }
0x6: {  	_ = 	snop  }
0x7: {  	_ = 	snop  }
__scs_overlays_trampoline_lowered:
0x8: {  	[smem:$0x3FAC] =	sst s0  }
0x9: {  	[smem:$0x3FAD] =	sst s1  }
0xa: {  	[smem:$0x3FAE] =	sst s2  }
0xb: {  	[smem:$0x3FAF] =	sst s3  }
0xc: {  	[smem:$0x3FB0] =	sst s4  }
0xd: {  	[smem:$0x3FB1] =	sst s5  }
0xe: {  	[smem:$0x3FB2] =	sst s6  }
0xf: {  	[smem:$0x3FB3] =	sst s7  }
0x10: {  	[smem:$0x3FB4] =	sst s8  }
0x11: {  	[smem:$0x3FB5] =	sst s9;
	s0 =	simm.s32 @!p0 $0x0  }
0x12: {  	s1 =	sld [smem:$0x3F9B];
	s0 =	simm.s32 @p0 $0x1  }
0x13: {  	[smem:$0x3FB6] =	sst s0;
	s0 =	simm.s32 @!p1 $0x0  }
0x14: {  	s2 =	sld [smem:$0x3F9A];
	s0 =	simm.s32 @p1 $0x1  }
0x15: {  	[smem:$0x3FB7] =	sst s0;
	s0 =	simm.s32 @!p2 $0x0  }
0x16: {  	s3 =	sld [smem:$0x3FDB];
	s0 =	simm.s32 @p2 $0x1  }
0x17: {  	s4 =	simm.s32 $0x1BF5;
	[smem:$0x3FB9] =	sst s0  }
0x18: {  	s0 =	sld [smem:$0x3F9C];
	_ =	swait.ge [sflag:s4], $0x0  }
0x19: {  	s7 =	sld [smem:$0x3F9D]  }
0x1a: {  	s8 =	sadd.s32 $0xFFFFE003, lr  }
0x1b: {  	s9 =	sadd.s32 $0xFFFFFEF7, lr;
	s5 =	simm.s32 $0xFFFFFFFF;
	p2 =	slt.u32 s8, $0xFFFFF086  }
0x1c: {  	p1 =	slt.u32 s9, $0xF7A;
	s5 =	simm.s32 @!p2 $0x0  }
0x1d: {  	s5 =	simm.s32 @p1 $0x1;
	p0 =	seq.s32 s7, s2  }
0x1e: {  	s7 =	smul.u32 @!p0 $0xF7A, s2;
	p2 =	seq.s32 @!p0 s5, $0x0  }
0x1f: {  	s9 =	smul.u32 $0xF7A, s1;
	s8 =	simm.s32 @!p0 $0x1BF5;
	p2 =	por !p2, p0  }
0x20: {  	[sflag:s8] =	ssyncset.s32 @!p0 $0xFFFFF086;
	s6 =	sadd.s32 @!p0 s3, s7;
	s7 =	simm.s32 @!p0 $0x108  }
0x21: {  	s3 =	sadd.s32 s3, s9;
	s6 =	sadd.s32 @!p0 $0x88, s6;
	s7 =	simm.s32 @p2 $0x1082  }
0x22: {  	[simem:s7], [sflag:s8] =	dma.local @!p0 [hbm:s6], $0xF7A  }
0x23: {  	s9 =	sor.u32 $0xD0000000, s2;
	s6 =	simm.s32 $0x108;
	_ =	swait.ge @!p0 [sflag:s8], $0x0  }
0x24: {  	s3 =	sadd.s32 $0x88, s3;
	s6 =	simm.s32 @!p1 $0x1082;
	[sflag:s4] =	ssyncset.s32 $0xFFFFF086  }
0x25: {  	[simem:s6], [sflag:s4] =	dma.local [hbm:s3], $0xF7A  }
0x26: {  	[smem:$0x3F9D] =	sst s1;
	(tag) =	ssettag s2;
	_ =	strace s9  }
0x27: {  	s1 =	sld [smem:$0x3FAD]  }
0x28: {  	s2 =	sld [smem:$0x3FAE]  }
0x29: {  	s4 =	sld [smem:$0x3FB0]  }
0x2a: {  	p0 =	seq.s32 s5, $0x0;
	s5 =	sld [smem:$0x3FB1]  }
0x2b: {  	s6 =	sld [smem:$0x3FB2]  }
0x2c: {  	s7 =	sld [smem:$0x3FB3]  }
0x2d: {  	s3 =	simm.s32 $0x108;
	s8 =	sld [smem:$0x3FB4]  }
0x2e: {  	s3 =	simm.s32 @!p0 $0x1082;
	s9 =	sld [smem:$0x3FB5]  }
0x2f: {  	lr =	sadd.s32 s0, s3;
	s0 =	sld [smem:$0x3FAC]  }
0x30: {  	s3 =	sld [smem:$0x3FAF]  }
0x31: {  	[smem:$0x3FB8] =	sst s10  }
0x32: {  	s10 =	sld [smem:$0x3FB6];
	_ =	sdelay $0x3  }
0x33: {  	p0 =	seq.s32 s10, $0x1;
	s10 =	sld [smem:$0x3FB8];
	_ =	sdelay $0x3  }
0x34: {  	[smem:$0x3FB8] =	sst s10  }
0x35: {  	s10 =	sld [smem:$0x3FB7];
	_ =	sdelay $0x3  }
0x36: {  	p1 =	seq.s32 s10, $0x1;
	s10 =	sld [smem:$0x3FB8];
	_ =	sdelay $0x3  }
0x37: {  	[smem:$0x3FB8] =	sst s10  }
0x38: {  	s10 =	sld [smem:$0x3FB9]  }
0x39: {  	_ = 	snop;
	(pc) =	sbr.ind lr, $3  }
0x3a: {  	_ = 	snop  }
0x3b: {  	_ = 	snop  }
0x3c: {  	p2 =	seq.s32 s10, $0x1;
	s10 =	sld [smem:$0x3FB8]  }
0x3d: {  	_ =	shalt  }
0x3e: {  	_ =	shalt  }
0x3f: {  	_ =	shalt  }
0x40: {  	_ =	shalt  }
0x41: {  	_ =	shalt  }
0x42: {  	_ =	shalt  }
0x43: {  	_ =	shalt  }
0x44: {  	_ =	shalt  }
0x45: {  	_ =	shalt  }
0x46: {  	_ =	shalt  }
0x47: {  	_ =	shalt  }
0x48: {  	_ =	shalt  }
0x49: {  	_ =	shalt  }
0x4a: {  	_ =	shalt  }
0x4b: {  	_ =	shalt  }
0x4c: {  	_ =	shalt  }
0x4d: {  	_ =	shalt  }
0x4e: {  	_ =	shalt  }
0x4f: {  	_ =	shalt  }
0x50: {  	_ =	shalt  }
0x51: {  	_ =	shalt  }
0x52: {  	_ =	shalt  }
0x53: {  	_ =	shalt  }
0x54: {  	_ =	shalt  }
0x55: {  	_ =	shalt  }
0x56: {  	_ =	shalt  }
0x57: {  	_ =	shalt  }
0x58: {  	_ =	shalt  }
0x59: {  	_ =	shalt  }
0x5a: {  	_ =	shalt  }
0x5b: {  	_ =	shalt  }
0x5c: {  	_ =	shalt  }
0x5d: {  	_ =	shalt  }
0x5e: {  	_ =	shalt  }
0x5f: {  	_ =	shalt  }
0x60: {  	_ =	shalt  }
0x61: {  	_ =	shalt  }
0x62: {  	_ =	shalt  }
0x63: {  	_ =	shalt  }
0x64: {  	_ =	shalt  }
0x65: {  	_ =	shalt  }
0x66: {  	_ =	shalt  }
0x67: {  	_ =	shalt  }
0x68: {  	_ =	shalt  }
0x69: {  	_ =	shalt  }
0x6a: {  	_ =	shalt  }
0x6b: {  	_ =	shalt  }
0x6c: {  	_ =	shalt  }
0x6d: {  	_ =	shalt  }
0x6e: {  	_ =	shalt  }
0x6f: {  	_ =	shalt  }
0x70: {  	_ =	shalt  }
0x71: {  	_ =	shalt  }
0x72: {  	_ =	shalt  }
0x73: {  	_ =	shalt  }
0x74: {  	_ =	shalt  }
0x75: {  	_ =	shalt  }
0x76: {  	_ =	shalt  }
0x77: {  	_ =	shalt  }
0x78: {  	_ =	shalt  }
0x79: {  	_ =	shalt  }
0x7a: {  	_ =	shalt  }
0x7b: {  	_ =	shalt  }
0x7c: {  	_ =	shalt  }
0x7d: {  	_ =	shalt  }
0x7e: {  	_ =	shalt  }
0x7f: {  	_ =	shalt  }
0x80: {  	_ =	shalt  }
0x81: {  	_ =	shalt  }
0x82: {  	_ =	shalt  }
0x83: {  	_ =	shalt  }
0x84: {  	_ =	shalt  }
0x85: {  	_ =	shalt  }
0x86: {  	_ =	shalt  }
0x87: {  	_ =	shalt  }
.Lfunc_end0:
.L_simem_size_0:
called_computation_lowered:
.L_overlay_start_0:
0x88: {  	s2 =	sld [smem:$0x3FD9]  }
0x89: {  	s3 =	sld [smem:$0x3FFE];
	_ =	sdelay $0x1  }
0x8a: {  	s1 =	srdreg.scid  }
0x8b: {  	s0 =	sand.u32 $0x1, s1  }
0x8c: {  	s17 =	sshll.u32 s0, $0xA;
	s2 =	sadd.s32 s3, s2  }
0x8d: {  	s2 =	sadd.s32 s2, s17  }
0x8e: {  	[smem:$0x3FC4] =	sst s2  }
0x8f: {  	_ = 	snop  }
0x90: {  	s2 =	sld [smem:$0x3FD0];
	(tm) =	ssettm $0x1  }
0x91: {  	s18 =	sld [smem:$0x3FFB];
	_ =	sdelay $0x3  }
0x92: {  	_ =	strace s18  }
0x93: {  	s3 =	sld [smem:$0x3FFC];
	_ =	sdelay $0x3  }
0x94: {  	_ =	strace s3  }
0x95: {  	s3 =	sld [smem:$0x3FFD];
	_ =	sdelay $0x3  }
0x96: {  	_ =	strace s3  }
0x97: {  	_ =	strace $0x8FFFFFFF  }
0x98: {  	s19 =	sld [smem:$0x3FDB];
	_ =	sdelay $0x1  }
0x99: {  	s4 =	simm.s32 $_scs_section_size  }
0x9a: {  	s5 =	simm.s32 $_size__tile_overlayer_lowered;
	s6 =	simm.s32 $_tile_overlayer_lowered  }
0x9b: {  	s22 =	simm.s32 $0x1BFF;
	s21 =	sshll.u32 s6, $0x1;
	s3 =	sadd.s32 s4, s19  }
0x9c: {  	s7 =	simm.s32 $0x0;
	s20 =	sshll.u32 s5, $0x1;
	s5 =	sadd.s32 s21, s3  }
0x9d: {  	[timem:s7], [sflag:s22] =	dma.local [hbm:s5], s20  }
0x9e: {  	_ =	swait.ge [sflag:s22], s20  }
0x9f: {  	s4 =	ssub.s32 $0x0, s20;
	[sflag:s22] =	ssyncset.done $0x0  }
0xa0: {  	[sflag:s22] =	ssyncadd.s32 s4;
	_ =	sdelay $0x1  }
0xa1: {  	s23 =	simm.s32 $0x1B8B  }
0xa2: {  	_ =	swait.ge [sflag:s23], $0x1  }
0xa3: {  	[sflag:s23] =	ssyncset.done $0x0  }
0xa4: {  	s25 =	simm.s32 $0x1B8E;
	s24 =	sld [smem:$0x3FFE];
	[sflag:s23] =	ssyncadd.s32 $0xFFFFFFFF  }
0xa5: {  	s26 =	simm.s32 $execute0_lowered;
	[smem:$0x3FD2] =	sst s25  }
0xa6: {  	s5 =	sshll.u32 s26, $0x1;
	_ =	strace $0x80000046;
	[dreg:$0x1] =	wrdreg $0xFFFFFFFF  }
0xa7: {  	s28 =	simm.s32 $_size_execute0_lowered;
	s3 =	sadd.s32 s3, s5;
	[dreg:$0x0] =	wrdreg $0x0  }
0xa8: {  	s5 =	sshll.u32 s28, $0x1;
	[dreg:$0x2] =	wrdreg s3  }
0xa9: {  	[dreg:$0x3] =	wrdreg s5  }
0xaa: {  	[dreg:$0x4] =	wrdreg $0xC0  }
0xab: {  	_ =	task [dreg:s7], $0x5FFFF  }
0xac: {  	[dreg:$0x1] =	wrdreg $0xFFFFFFFF  }
0xad: {  	[dreg:$0x0] =	wrdreg $0x60  }
0xae: {  	[dreg:$0x2] =	wrdreg s24  }
0xaf: {  	[dreg:$0x3] =	wrdreg s2  }
0xb0: {  	[dreg:$0x4] =	wrdreg $0x0  }
0xb1: {  	[dreg:$0x5] =	wrdreg $0x9  }
0xb2: {  	_ =	task.clear_ibuf [dreg:s7], $0x6FFFF;
	_ =	strace $0x90000046  }
0xb3: {  	s29 =	simm.s32 $0x9;
	_ =	strace $0x80000048  }
0xb4: {  	_ =	swait.ge [sflag:s29], $0x1  }
0xb5: {  	[sflag:s29] =	ssyncadd.s32 $0xFFFFFFFF  }
0xb6: {  	_ =	strace $0x90000048  }
0xb7: {  	_ =	sfence  }
0xb8: {  	s30 =	sld [smem:$0x0];
	_ =	sdelay $0x2  }
0xb9: {  	s31 =	sshll.u32 s1, $0xD;
	s1 =	sshrl.u32 s1, $0x2  }
0xba: {  	s3 =	sand.u32 $0x4000, s31;
	s1 =	sadd.s32 s1, s30  }
0xbb: {  	s0 =	sor.u32 s3, s0;
	s1 =	sshll.u32 s1, $0x11  }
0xbc: {  	s0 =	sor.u32 s1, s0  }
0xbd: {  	s0 =	sadd.s32 $0x8F2B, s0  }
0xbe: {  	[sflag:s0] =	ssyncadd.remote.s32 $0x1  }
0xbf: {  	_ =	sfence.sel $0xFFFF  }
0xc0: {  	[dreg:$0x0] =	wrdreg $0xFFFFFFFF;
	(pc) =	sbr.abs _section_cstart, $3  }
0xc1: {  	[dreg:$0x1] =	wrdreg $0xFFFFFFFF  }
0xc2: {  	_ =	task.clear_ibuf [dreg:s7], $0x2FFFF;
	_ =	strace $0x9FFFFFFF  }
0xc3: {  	(tm) =	ssettm $0x7FFFFFFF  }
tec
execute0_lowered:
.L_overlay_start_1:
0x0: {  	(tag) =	ssettag $0x1  }
0x1: {  	s0 =	rddreg [dreg:$0x0]  }
0x2: {  	s1 =	rddreg [dreg:$0x1]  }
0x3: {  	s10 =	stileid.u32;
	s3 =	srdreg.scid  }
0x4: {  	s2 =	rddreg [dreg:$0x2];
	s15 =	simm.s32 $0x4000;
	s16 =	simm.s32 $0x1  }
0x5: {  	s17 =	simm.s32 $0x2;
	s18 =	simm.s32 $0x50;
	s19 =	simm.s32 $0x6780  }
0x6: {  	s28 =	simm.s32 $0x10780;
	s29 =	simm.s32 $0x6;
	s30 =	simm.s32 $0x3  }
0x7: {  	s31 =	simm.s32 $0x7;
	s20 =	simm.s32 $0x5;
	s4 =	sand.u32 $0x1, s3  }
0x8: {  	s5 =	sshll.u32 s10, $0x1;
	s3 =	simm.s32 $0x0;
	s7 =	sshll.u32 s10, $0xB  }
0x9: {  	s22 =	sshll.u32 s10, $0xE;
	s23 =	sshll.u32 s10, $0x6;
	s11 =	smul.u32 $0x4E200, s10  }
0xa: {  	s5 =	sor.u32 s4, s5;
	[smem:$0x7FF] =	sst s3;
	s7 =	sand.u32 $0x1800, s7  }
0xb: {  	s8 =	ssub.s32 $0x2, s4;
	s14 =	sadd.s32 s22, s2;
	s4 =	smul.u32 $0x27100, s4  }
0xc: {  	s22 =	simm.s32 $0x9;
	s6 =	smul.u32 $0x2710, s5;
	_ =	strace $0x80000047  }
0xd: {  	s7 =	sadd.s32 s7, s0;
	s21 =	sshrl.u32 s8, $0x1;
	s9 =	smul.u32 $0x138800, s5  }
0xe: {  	s5 =	smul.u32 $0x27100, s5;
	s14 =	sshrl.u32 s14, $0x3;
	s7 =	sadd.s32 $0xB000, s7  }
0xf: {  	s6 =	sshrl.u32 s6, $0x3;
	[dreg:$0x4] =	wrdreg s7;
	s7 =	sor.u32 $0x1C01, s23  }
0x10: {  	s24 =	sshrl.u32 s9, $0x3;
	s5 =	sadd.s32 s1, s5;
	s23 =	simm.s32 $0xB780  }
0x11: {  	s0 =	sadd.s32 s6, s0;
	s6 =	ssub.s32 s8, s21;
	[dreg:$0x5] =	wrdreg s7  }
0x12: {  	s25 =	sadd.s32 s1, s24;
	[dreg:$0x7] =	wrdreg s5;
	s1 =	sadd.s32 s11, s1  }
0x13: {  	s21 =	simm.s32 $0x8F80;
	s24 =	simm.s32 $0xA;
	s0 =	sadd.s32 $0x1200, s0  }
0x14: {  	s8 =	sadd.s32 $0x500, s25;
	s9 =	sadd.s32 $0x26200, s25;
	s10 =	sadd.s32 $0x26700, s25  }
0x15: {  	s11 =	sadd.s32 $0x26C00, s25;
	s12 =	smax.u32 s6, $0x1;
	s26 =	sadd.s32 s4, s1  }
0x16: {  	s25 =	simm.s32 $0xDF80;
	s1 =	simm.s32 $0x4;
	[dreg:$0x6] =	wrdreg s0  }
0x17: {  	s13 =	sadd.s32 $0xF00, s26;
	s0 =	simm.s32 $0x8;
	s26 =	simm.s32 $0x0  }
.LBB2_1:
0x18: {  	s4 =	rddreg [dreg:$0x4]  }
0x19: {  	s5 =	rddreg [dreg:$0x5]  }
0x1a: {  	[spmem:s14], [sflag:s5] =	dma.local [hbm:s4], $0x800  }
0x1b: {  	s4 =	rddreg [dreg:$0x6]  }
0x1c: {  	[tilespmem:s15], [sflag:$0x2] =	stream.linear.gather [hbm4b:s4+s3], $0x2710, $0x38;
	[tilespmem:$0x12F80] =	vst v63  }
0x1d: {  	_ =	swait.ge [sflag:s16], $0x800  }
0x1e: {  	[sflag:s16] =	ssyncset.done $0x0  }
0x1f: {  	[sflag:s16] =	ssyncadd.s32 $0xFFFFF800  }
0x20: {  	_ =	swait.ge [sflag:s17], $0x2710  }
0x21: {  	[sflag:s17] =	ssyncset.done $0x0  }
0x22: {  	[sflag:s17] =	ssyncadd.s32 $0xFFFFD8F0  }
0x23: {  	[tilespmem:s19], [sflag:$0x1] =	stream.indirect.gather [spmem:s2], $0x80, s15, s18, $0xb8;
	[tilespmem:$0x12F80] =	vst v63  }
0x24: {  	s7 =	simm.s32 $0x4050  }
0x25: {  	[tilespmem:s21], [sflag:$0x2] =	stream.indirect.gather [spmem:s2], $0x80, s7, s18, $0xb8;
	[tilespmem:$0x12F80] =	vst v63  }
0x26: {  	s5 =	simm.s32 $0x40A0  }
0x27: {  	[tilespmem:s23], [sflag:$0x3] =	stream.indirect.gather [spmem:s2], $0x80, s5, s18, $0xb8;
	[tilespmem:$0x12F80] =	vst v63  }
0x28: {  	s6 =	simm.s32 $0x40F0  }
0x29: {  	[tilespmem:s25], [sflag:$0x4] =	stream.indirect.gather [spmem:s2], $0x80, s6, s18, $0xb8;
	[tilespmem:$0x12F80] =	vst v63  }
0x2a: {  	_ =	swait.ge [sflag:s16], $0x2800  }
0x2b: {  	[sflag:s16] =	ssyncset.done $0x0  }
0x2c: {  	s7 =	rddreg [dreg:$0x7];
	[sflag:s16] =	ssyncadd.s32 $0xFFFFD800  }
0x2d: {  	[hbm4b:s7+s3] =	stream.linear.scatter [tilespmem:s19], [sflag:$0x6], $0x2800, $0x38;
	[tilespmem:$0x12F80] =	vst v63  }
0x2e: {  	s5 =	simm.s32 $0x4140  }
0x2f: {  	[tilespmem:s28], [sflag:$0x5] =	stream.indirect.gather [spmem:s2], $0x80, s5, s18, $0xb8;
	[tilespmem:$0x12F80] =	vst v63  }
0x30: {  	_ =	swait.ge [sflag:s17], $0x2800  }
0x31: {  	[sflag:s17] =	ssyncset.done $0x0  }
0x32: {  	[sflag:s17] =	ssyncadd.s32 $0xFFFFD800  }
0x33: {  	[hbm4b:s8+s3] =	stream.linear.scatter [tilespmem:s21], [sflag:$0x7], $0x2800, $0x38;
	[tilespmem:$0x12F80] =	vst v63  }
0x34: {  	_ =	swait.ge [sflag:s29], $0x2800  }
0x35: {  	[sflag:s29] =	ssyncset.done $0x0  }
0x36: {  	s6 =	simm.s32 $0x4190;
	[sflag:s29] =	ssyncadd.s32 $0xFFFFD800  }
0x37: {  	[tilespmem:s19], [sflag:$0x1] =	stream.indirect.gather [spmem:s2], $0x80, s6, s18, $0xb8;
	[tilespmem:$0x12F80] =	vst v63  }
0x38: {  	_ =	swait.ge [sflag:s30], $0x2800  }
0x39: {  	[sflag:s30] =	ssyncset.done $0x0  }
0x3a: {  	s7 =	sadd.s32 $0xFFFFFB00, s13;
	[sflag:s30] =	ssyncadd.s32 $0xFFFFD800  }
0x3b: {  	[hbm4b:s7+s3] =	stream.linear.scatter [tilespmem:s23], [sflag:$0x8], $0x2800, $0x38;
	[tilespmem:$0x12F80] =	vst v63  }
0x3c: {  	_ =	swait.ge [sflag:s31], $0x2800  }
0x3d: {  	[sflag:s31] =	ssyncset.done $0x0  }
0x3e: {  	s5 =	simm.s32 $0x41E0;
	[sflag:s31] =	ssyncadd.s32 $0xFFFFD800  }
0x3f: {  	[tilespmem:s21], [sflag:$0x2] =	stream.indirect.gather [spmem:s2], $0x80, s5, s18, $0xb8;
	[tilespmem:$0x12F80] =	vst v63  }
0x40: {  	_ =	swait.ge [sflag:s1], $0x2800  }
0x41: {  	[sflag:s1] =	ssyncset.done $0x0  }
0x42: {  	[sflag:s1] =	ssyncadd.s32 $0xFFFFD800  }
0x43: {  	[hbm4b:s13+s3] =	stream.linear.scatter [tilespmem:s25], [sflag:$0x9], $0x2800, $0x38;
	[tilespmem:$0x12F80] =	vst v63  }
0x44: {  	_ =	swait.ge [sflag:s0], $0x2800  }
0x45: {  	[sflag:s0] =	ssyncset.done $0x0  }
0x46: {  	s6 =	simm.s32 $0x4230;
	[sflag:s0] =	ssyncadd.s32 $0xFFFFD800  }
0x47: {  	[tilespmem:s23], [sflag:$0x3] =	stream.indirect.gather [spmem:s2], $0x80, s6, s18, $0xb8;
	[tilespmem:$0x12F80] =	vst v63  }
0x48: {  	_ =	swait.ge [sflag:s20], $0x2800  }
0x49: {  	[sflag:s20] =	ssyncset.done $0x0  }
0x4a: {  	s7 =	sadd.s32 $0x500, s13;
	[sflag:s20] =	ssyncadd.s32 $0xFFFFD800  }
0x4b: {  	[hbm4b:s7+s3] =	stream.linear.scatter [tilespmem:s28], [sflag:$0xA], $0x2800, $0x38;
	[tilespmem:$0x12F80] =	vst v63  }
0x4c: {  	_ =	swait.ge [sflag:s22], $0x2800  }
0x4d: {  	[sflag:s22] =	ssyncset.done $0x0  }
0x4e: {  	s5 =	simm.s32 $0x4280;
	[sflag:s22] =	ssyncadd.s32 $0xFFFFD800  }
0x4f: {  	[tilespmem:s25], [sflag:$0x4] =	stream.indirect.gather [spmem:s2], $0x80, s5, s18, $0xb8;
	[tilespmem:$0x12F80] =	vst v63  }
0x50: {  	_ =	swait.ge [sflag:s16], $0x2800  }
0x51: {  	[sflag:s16] =	ssyncset.done $0x0  }
0x52: {  	s6 =	sadd.s32 $0xA00, s13;
	[sflag:s16] =	ssyncadd.s32 $0xFFFFD800  }
0x53: {  	[hbm4b:s6+s3] =	stream.linear.scatter [tilespmem:s19], [sflag:$0x6], $0x2800, $0x38;
	[tilespmem:$0x12F80] =	vst v63  }
0x54: {  	_ =	swait.ge [sflag:s24], $0x2800  }
0x55: {  	[sflag:s24] =	ssyncset.done $0x0  }
0x56: {  	s7 =	simm.s32 $0x42D0;
	[sflag:s24] =	ssyncadd.s32 $0xFFFFD800  }
0x57: {  	[tilespmem:s28], [sflag:$0x5] =	stream.indirect.gather [spmem:s2], $0x80, s7, s18, $0xb8;
	[tilespmem:$0x12F80] =	vst v63  }
0x58: {  	_ =	swait.ge [sflag:s17], $0x2800  }
0x59: {  	s4 =	simm.s32 $0x640;
	[sflag:s17] =	ssyncset.done $0x0  }
0x5a: {  	s5 =	sadd.s32 $0x1900, s13;
	s6 =	sadd.s32 $0xF00, s13;
	[sflag:s17] =	ssyncadd.s32 $0xFFFFD800  }
.LBB2_2:
0x5b: {  	[hbm4b:s6+s3] =	stream.linear.scatter [tilespmem:s21], [sflag:$0x7], $0x2800, $0x38;
	[tilespmem:$0x12F80] =	vst v63  }
0x5c: {  	s6 =	smov.u32 s4  }
0x5d: {  	p0 =	sne.s32 s4, $0x8FC0;
	s4 =	sadd.s32 $0x640, s4;
	_ =	swait.ge [sflag:s29], $0x2800  }
0x5e: {  	s6 =	sshra.s32 s6, $0x2;
	[sflag:s29] =	ssyncset.done $0x0  }
0x5f: {  	s7 =	sadd.s32 $0x4190, s6;
	[sflag:s29] =	ssyncadd.s32 $0xFFFFD800  }
0x60: {  	[tilespmem:s19], [sflag:$0x1] =	stream.indirect.gather [spmem:s2], $0x80, s7, s18, $0xb8;
	[tilespmem:$0x12F80] =	vst v63  }
0x61: {  	_ =	swait.ge [sflag:s30], $0x2800  }
0x62: {  	[sflag:s30] =	ssyncset.done $0x0  }
0x63: {  	s7 =	sadd.s32 $0xFFFFFB00, s5;
	[sflag:s30] =	ssyncadd.s32 $0xFFFFD800  }
0x64: {  	[hbm4b:s7+s3] =	stream.linear.scatter [tilespmem:s23], [sflag:$0x8], $0x2800, $0x38;
	[tilespmem:$0x12F80] =	vst v63  }
0x65: {  	_ =	swait.ge [sflag:s31], $0x2800  }
0x66: {  	[sflag:s31] =	ssyncset.done $0x0  }
0x67: {  	s7 =	sadd.s32 $0x41E0, s6;
	[sflag:s31] =	ssyncadd.s32 $0xFFFFD800  }
0x68: {  	[tilespmem:s21], [sflag:$0x2] =	stream.indirect.gather [spmem:s2], $0x80, s7, s18, $0xb8;
	[tilespmem:$0x12F80] =	vst v63  }
0x69: {  	_ =	swait.ge [sflag:s1], $0x2800  }
0x6a: {  	[sflag:s1] =	ssyncset.done $0x0  }
0x6b: {  	[sflag:s1] =	ssyncadd.s32 $0xFFFFD800  }
0x6c: {  	[hbm4b:s5+s3] =	stream.linear.scatter [tilespmem:s25], [sflag:$0x9], $0x2800, $0x38;
	[tilespmem:$0x12F80] =	vst v63  }
0x6d: {  	_ =	swait.ge [sflag:s0], $0x2800  }
0x6e: {  	[sflag:s0] =	ssyncset.done $0x0  }
0x6f: {  	s7 =	sadd.s32 $0x4230, s6;
	[sflag:s0] =	ssyncadd.s32 $0xFFFFD800  }
0x70: {  	[tilespmem:s23], [sflag:$0x3] =	stream.indirect.gather [spmem:s2], $0x80, s7, s18, $0xb8;
	[tilespmem:$0x12F80] =	vst v63  }
0x71: {  	_ =	swait.ge [sflag:s20], $0x2800  }
0x72: {  	[sflag:s20] =	ssyncset.done $0x0  }
0x73: {  	s7 =	sadd.s32 $0x500, s5;
	[sflag:s20] =	ssyncadd.s32 $0xFFFFD800  }
0x74: {  	[hbm4b:s7+s3] =	stream.linear.scatter [tilespmem:s28], [sflag:$0xA], $0x2800, $0x38;
	[tilespmem:$0x12F80] =	vst v63  }
0x75: {  	_ =	swait.ge [sflag:s22], $0x2800  }
0x76: {  	[sflag:s22] =	ssyncset.done $0x0  }
0x77: {  	s7 =	sadd.s32 $0x4280, s6;
	[sflag:s22] =	ssyncadd.s32 $0xFFFFD800  }
0x78: {  	[tilespmem:s25], [sflag:$0x4] =	stream.indirect.gather [spmem:s2], $0x80, s7, s18, $0xb8;
	[tilespmem:$0x12F80] =	vst v63  }
0x79: {  	_ =	swait.ge [sflag:s16], $0x2800  }
0x7a: {  	[sflag:s16] =	ssyncset.done $0x0  }
0x7b: {  	s7 =	sadd.s32 $0xA00, s5;
	[sflag:s16] =	ssyncadd.s32 $0xFFFFD800  }
0x7c: {  	[hbm4b:s7+s3] =	stream.linear.scatter [tilespmem:s19], [sflag:$0x6], $0x2800, $0x38;
	[tilespmem:$0x12F80] =	vst v63  }
0x7d: {  	_ =	swait.ge [sflag:s24], $0x2800  }
0x7e: {  	[sflag:s24] =	ssyncset.done $0x0  }
.Ltmp0:
0x7f: {  	s6 =	sadd.s32 $0x42D0, s6;
	[sflag:s24] =	ssyncadd.s32 $0xFFFFD800;
	(pc) =	sbr.rel @p0 .LBB2_2-.Ltmp0, $4  }
0x80: {  	[tilespmem:s28], [sflag:$0x5] =	stream.indirect.gather [spmem:s2], $0x80, s6, s18, $0xb8;
	[tilespmem:$0x12F80] =	vst v63  }
0x81: {  	_ =	swait.ge [sflag:s17], $0x2800  }
0x82: {  	[sflag:s17] =	ssyncset.done $0x0  }
0x83: {  	s6 =	sadd.s32 $0xF00, s5;
	s5 =	sadd.s32 $0x1900, s5;
	[sflag:s17] =	ssyncadd.s32 $0xFFFFD800  }
0x84: {  	[hbm4b:s6+s3] =	stream.linear.scatter [tilespmem:s21], [sflag:$0x7], $0x2800, $0x38;
	[tilespmem:$0x12F80] =	vst v63  }
0x85: {  	_ =	swait.ge [sflag:s30], $0x2800  }
0x86: {  	[sflag:s30] =	ssyncset.done $0x0  }
0x87: {  	[sflag:s30] =	ssyncadd.s32 $0xFFFFD800  }
0x88: {  	[hbm4b:s9+s3] =	stream.linear.scatter [tilespmem:s23], [sflag:$0x8], $0x2800, $0x38;
	[tilespmem:$0x12F80] =	vst v63  }
0x89: {  	_ =	swait.ge [sflag:s1], $0x2800  }
0x8a: {  	[sflag:s1] =	ssyncset.done $0x0  }
0x8b: {  	[sflag:s1] =	ssyncadd.s32 $0xFFFFD800  }
0x8c: {  	[hbm4b:s10+s3] =	stream.linear.scatter [tilespmem:s25], [sflag:$0x9], $0x2800, $0x38;
	[tilespmem:$0x12F80] =	vst v63  }
0x8d: {  	_ =	swait.ge [sflag:s20], $0x2800  }
0x8e: {  	[sflag:s20] =	ssyncset.done $0x0  }
0x8f: {  	[sflag:s20] =	ssyncadd.s32 $0xFFFFD800  }
0x90: {  	[hbm4b:s11+s3] =	stream.linear.scatter [tilespmem:s28], [sflag:$0xA], $0x2800, $0x38;
	[tilespmem:$0x12F80] =	vst v63  }
0x91: {  	_ =	swait.ge [sflag:s29], $0x2800  }
0x92: {  	[sflag:s29] =	ssyncset.done $0x0  }
0x93: {  	[sflag:s29] =	ssyncadd.s32 $0xFFFFD800  }
0x94: {  	_ =	swait.ge [sflag:s31], $0x2800  }
0x95: {  	[sflag:s31] =	ssyncset.done $0x0  }
0x96: {  	[sflag:s31] =	ssyncadd.s32 $0xFFFFD800  }
0x97: {  	_ =	swait.ge [sflag:s0], $0x2800  }
0x98: {  	[sflag:s0] =	ssyncset.done $0x0  }
0x99: {  	s26 =	sadd.s32 $0x1, s26;
	[sflag:s0] =	ssyncadd.s32 $0xFFFFD800  }
0x9a: {  	p0 =	sne.s32 s26, s12;
	_ =	swait.ge [sflag:s22], $0x2800  }
.Ltmp1:
0x9b: {  	[sflag:s22] =	ssyncset.done $0x0;
	(pc) =	sbr.rel @p0 .LBB2_1-.Ltmp1, $4  }
0x9c: {  	[sflag:s22] =	ssyncadd.s32 $0xFFFFD800  }
0x9d: {  	_ =	swait.ge [sflag:s24], $0x2800  }
0x9e: {  	[sflag:s24] =	ssyncset.done $0x0  }
0x9f: {  	[sflag:s24] =	ssyncadd.s32 $0xFFFFD800  }
0xa0: {  	_ =	sfence.sel $0x180000  }
0xa1: {  	[bflag:$0x0] =	sbarrier.arrive $0xFFFF  }
0xa2: {  	_ =	strace $0x90000047  }
0xa3: {  	s0 =	stileid.u32;
	[bflag:$0x2] =	sbarrier.arrive $0xFFFF  }
0xa4: {  	p0 =	sne.s32 s0, $0x0;
	s0 =	rddreg [dreg:$0x3]  }
0xa5: {  	s0 =	sadd.s32 @!p0 $0x100000, s0  }
0xa6: {  	[sflag:s0] =	ssyncadd.tile.s32 @!p0 $0x1;
	_ =	shalt  }
.Lfunc_end2:
_tile_overlayer_lowered:
.L_overlay_start_2:
0xa7: {  	(tag) =	ssettag $0x2  }
0xa8: {  	s0 =	rddreg [dreg:$0x0];
	s2 =	stileid.u32  }
0xa9: {  	s1 =	rddreg [dreg:$0x1];
	p0 =	sne.s32 s2, $0x0  }
0xaa: {  	s3 =	rddreg [dreg:$0x2];
	[bflag:$0x3] =	sbarrier.arrive $0xFFFF;
	s2 =	simm.s32 @!p0 $0x1C0B  }
0xab: {  	[timem:s3], [sflag:s2] =	dma.local @!p0 [hbm:s0], s1  }
0xac: {  	s0 =	simm.s32 @!p0 $0xB  }
0xad: {  	_ =	swait.ge @!p0 [sflag:s0], s1  }
0xae: {  	s1 =	ssub.s32 @!p0 $0x0, s1;
	[sflag:s0] =	ssyncset.done @!p0 $0x0  }
0xaf: {  	[sflag:s0] =	ssyncadd.s32 @!p0 s1  }
0xb0: {  	[bflag:$0x3] =	sbarrier.arrive $0xFFFF  }
0xb1: {  	_ =	shalt  }

</sc_bundles>
